<compile_context>
chip_gen: v7x
topology: tpu7x:2x2x1
jax: 0.10.2.dev20260603
libtpu: 0.0.44.dev20260713+nightly
codegen_flags: <defaults>
</compile_context>

<pallas_src>
import functools

import jax
import jax.numpy as jnp
from jax import lax
from jax.experimental import pallas as pl
from jax.experimental.pallas import tpu as pltpu
from jax.experimental.pallas import tpu_sc as plsc

BATCH = 16384
D = 256
NC = 2
NS = 16
NW = NC * NS
BPW = BATCH // NW
CH = 64
NCHUNK = BPW // CH
NBUF = 3

_mesh = plsc.VectorSubcoreMesh(core_axis_name="c", subcore_axis_name="s")


@functools.partial(
    pl.kernel,
    mesh=_mesh,
    out_type=jax.ShapeDtypeStruct((BATCH, 2 * D), jnp.float32),
    scratch_types=[
        pltpu.VMEM((NCHUNK, CH), jnp.int32),
        pltpu.VMEM((NCHUNK, CH), jnp.int32),
    ] + [pltpu.VMEM((CH, 2 * D), jnp.float32) for _ in range(NBUF)]
      + [pltpu.SemaphoreType.DMA for _ in range(2 * NBUF)]
      + [pltpu.SemaphoreType.DMA],
)
def _gather_kernel(oidx_hbm, cidx_hbm, otab_hbm, ctab_hbm, out_hbm,
                   oidx_v, cidx_v, b0, b1, b2, g0, g1, g2, s0, s1, s2, isem):
    bufs = (b0, b1, b2)
    gsems = (g0, g1, g2)
    osems = (s0, s1, s2)
    wid = lax.axis_index("s") * NC + lax.axis_index("c")
    base = wid * BPW
    icp0 = pltpu.async_copy(oidx_hbm.at[pl.ds(wid * NCHUNK, NCHUNK)], oidx_v, isem)
    icp1 = pltpu.async_copy(cidx_hbm.at[pl.ds(wid * NCHUNK, NCHUNK)], cidx_v, isem)
    icp0.wait()
    icp1.wait()
    gcp = [None] * NCHUNK
    ocp = [None] * NCHUNK
    for c in range(NCHUNK + 1):
        if c < NCHUNK:
            slot = c % NBUF
            if c >= NBUF:
                ocp[c - NBUF][0].wait()
                ocp[c - NBUF][1].wait()
            go = pltpu.async_copy(otab_hbm.at[oidx_v.at[c]],
                                  bufs[slot].at[:, pl.ds(0, D)], gsems[slot])
            gc = pltpu.async_copy(ctab_hbm.at[cidx_v.at[c]],
                                  bufs[slot].at[:, pl.ds(D, D)], gsems[slot])
            gcp[c] = (go, gc)
        if c >= 1:
            cp = c - 1
            slot = cp % NBUF
            gcp[cp][0].wait()
            oo = pltpu.async_copy(
                bufs[slot].at[:, pl.ds(0, D)],
                out_hbm.at[pl.ds(base + cp * CH, CH), pl.ds(0, D)], osems[slot])
            gcp[cp][1].wait()
            oc = pltpu.async_copy(
                bufs[slot].at[:, pl.ds(D, D)],
                out_hbm.at[pl.ds(base + cp * CH, CH), pl.ds(D, D)], osems[slot])
            ocp[cp] = (oo, oc)
    for c in range(NCHUNK - NBUF, NCHUNK):
        ocp[c][0].wait()
        ocp[c][1].wait()


def kernel(input, obj_table, color_table):
    obj_idx = input[:, 0].reshape(BATCH // CH, CH)
    color_idx = input[:, 1].reshape(BATCH // CH, CH)
    return _gather_kernel(obj_idx, color_idx, obj_table, color_table)

# --- scband reference (transcript-rebuilt; emitter-appended) ---
"""Pipeline reference for scband-obverter-meta-visual-module-51531017617893 (READ-ONLY COPY).

The authoritative reference and input builder live on the scoring server;
editing this copy changes nothing except your own understanding.
"""

import jax, jax.numpy as jnp
import numpy as np

OBJECT_VOCAB = 100000
COLOR_VOCAB = 100000
HIDDEN = 512
BATCH = 16384

def setup_inputs(seed: int = 0) -> dict:
    key = jax.random.key(seed)
    k1, k2, k3 = jax.random.split(key, 3)
    inp = jax.random.randint(k1, (BATCH, 2), 0, min(OBJECT_VOCAB, COLOR_VOCAB), dtype=jnp.int64 if jax.config.jax_enable_x64 else jnp.int32).astype(jnp.int32)
    obj_table = jax.random.normal(k2, (OBJECT_VOCAB, HIDDEN // 2), dtype=jnp.float32)
    color_table = jax.random.normal(k3, (COLOR_VOCAB, HIDDEN // 2), dtype=jnp.float32)
    return {"input": inp, "obj_table": obj_table, "color_table": color_table}

def reference(input, obj_table, color_table):
    # dataset_type == 'meta' branch:
    # object_embedding = Embedding_object(input[:, 0])
    # color_embedding  = Embedding_color(input[:, 1])
    # embedding = cat((object_embedding, color_embedding), dim=1)
    object_embedding = jnp.take(obj_table, input[:, 0], axis=0)
    color_embedding = jnp.take(color_table, input[:, 1], axis=0)
    embedding = jnp.concatenate((object_embedding, color_embedding), axis=1)
    return embedding

if __name__ == "__main__":
    import jax
    _d = setup_inputs()
    print(jax.jit(kernel)(*tuple(_d.values())))

</pallas_src>

<mosaic_0001>
#map = affine_map<(d0, d1) -> (0, 0)>
module attributes {stable_mosaic.version = 14 : i64} {
  func.func @_gather_kernel(%arg0: i32, %arg1: i32, %arg2: memref<256x64xi32, #tpu.memory_space<hbm>>, %arg3: memref<256x64xi32, #tpu.memory_space<hbm>>, %arg4: memref<100000x256xf32, #tpu.memory_space<hbm>>, %arg5: memref<100000x256xf32, #tpu.memory_space<hbm>>, %arg6: memref<16384x512xf32, #tpu.memory_space<hbm>>, %arg7: memref<8x64xi32, #tpu.memory_space<vmem>>, %arg8: memref<8x64xi32, #tpu.memory_space<vmem>>, %arg9: memref<64x512xf32, #tpu.memory_space<vmem>>, %arg10: memref<64x512xf32, #tpu.memory_space<vmem>>, %arg11: memref<64x512xf32, #tpu.memory_space<vmem>>, %arg12: memref<!tpu.dma_semaphore, #tpu.memory_space<semaphore_mem>>, %arg13: memref<!tpu.dma_semaphore, #tpu.memory_space<semaphore_mem>>, %arg14: memref<!tpu.dma_semaphore, #tpu.memory_space<semaphore_mem>>, %arg15: memref<!tpu.dma_semaphore, #tpu.memory_space<semaphore_mem>>, %arg16: memref<!tpu.dma_semaphore, #tpu.memory_space<semaphore_mem>>, %arg17: memref<!tpu.dma_semaphore, #tpu.memory_space<semaphore_mem>>, %arg18: memref<!tpu.dma_semaphore, #tpu.memory_space<semaphore_mem>>) attributes {dimension_semantics = [#tpu.dimension_semantics<core_parallel>, #tpu.dimension_semantics<subcore_parallel>], iteration_bounds = array<i64: 2, 16>, scalar_prefetch = 0 : i64, scratch_operands = 12 : i64, tpu.core_type = #tpu.core_type<sc_vector_subcore>, window_params = [{transform_indices = #map}, {transform_indices = #map}, {transform_indices = #map}, {transform_indices = #map}, {transform_indices = #map}]} {
    %mul3A = arith.constant 2 : i32
    %mul3A_0 = arith.muli %arg1, %mul3A : i32
    %add3A = arith.addi %mul3A_0, %arg0 : i32
    %mul3A_1 = arith.constant 512 : i32
    %mul3A_2 = arith.muli %add3A, %mul3A_1 : i32
    %mul3A_3 = arith.constant 8 : i32
    %mul3A_4 = arith.muli %add3A, %mul3A_3 : i32
    %dma_start3A = arith.constant 0 : i32
    %dma_start3A_5 = tpu.memref_slice %arg2[%mul3A_4, %dma_start3A] : memref<256x64xi32, #tpu.memory_space<hbm>> -> memref<8x64xi32, #tpu.memory_space<hbm>>
    %dma_start3A_6 = arith.constant 0 : i32
    %dma_start3A_7 = tpu.memref_slice %arg2[%mul3A_4, %dma_start3A_6] : memref<256x64xi32, #tpu.memory_space<hbm>> -> memref<8x64xi32, #tpu.memory_space<hbm>>
    tpu.enqueue_dma source(%dma_start3A_7 : memref<8x64xi32, #tpu.memory_space<hbm>>) target(%arg7 : memref<8x64xi32, #tpu.memory_space<vmem>>) target_semaphore(%arg18 : memref<!tpu.dma_semaphore, #tpu.memory_space<semaphore_mem>>)
    %mul3A_8 = arith.constant 8 : i32
    %mul3A_9 = arith.muli %add3A, %mul3A_8 : i32
    %dma_start3A_10 = arith.constant 0 : i32
    %dma_start3A_11 = tpu.memref_slice %arg3[%mul3A_9, %dma_start3A_10] : memref<256x64xi32, #tpu.memory_space<hbm>> -> memref<8x64xi32, #tpu.memory_space<hbm>>
    %dma_start3A_12 = arith.constant 0 : i32
    %dma_start3A_13 = tpu.memref_slice %arg3[%mul3A_9, %dma_start3A_12] : memref<256x64xi32, #tpu.memory_space<hbm>> -> memref<8x64xi32, #tpu.memory_space<hbm>>
    tpu.enqueue_dma source(%dma_start3A_13 : memref<8x64xi32, #tpu.memory_space<hbm>>) target(%arg8 : memref<8x64xi32, #tpu.memory_space<vmem>>) target_semaphore(%arg18 : memref<!tpu.dma_semaphore, #tpu.memory_space<semaphore_mem>>)
    %dma_wait3A = arith.constant 0 : i32
    %dma_wait3A_14 = tpu.memref_slice %arg2[%mul3A_4, %dma_wait3A] : memref<256x64xi32, #tpu.memory_space<hbm>> -> memref<8x64xi32, #tpu.memory_space<hbm>>
    %dma_wait3A_15 = arith.constant 0 : i32
    %dma_wait3A_16 = tpu.memref_slice %arg2[%mul3A_4, %dma_wait3A_15] : memref<256x64xi32, #tpu.memory_space<hbm>> -> memref<8x64xi32, #tpu.memory_space<hbm>>
    tpu.wait_dma2 semaphore(%arg18 : memref<!tpu.dma_semaphore, #tpu.memory_space<semaphore_mem>>) src(%dma_wait3A_16 : memref<8x64xi32, #tpu.memory_space<hbm>>) dst(%arg7 : memref<8x64xi32, #tpu.memory_space<vmem>>)
    %dma_wait3A_17 = arith.constant 0 : i32
    %dma_wait3A_18 = tpu.memref_slice %arg3[%mul3A_9, %dma_wait3A_17] : memref<256x64xi32, #tpu.memory_space<hbm>> -> memref<8x64xi32, #tpu.memory_space<hbm>>
    %dma_wait3A_19 = arith.constant 0 : i32
    %dma_wait3A_20 = tpu.memref_slice %arg3[%mul3A_9, %dma_wait3A_19] : memref<256x64xi32, #tpu.memory_space<hbm>> -> memref<8x64xi32, #tpu.memory_space<hbm>>
    tpu.wait_dma2 semaphore(%arg18 : memref<!tpu.dma_semaphore, #tpu.memory_space<semaphore_mem>>) src(%dma_wait3A_20 : memref<8x64xi32, #tpu.memory_space<hbm>>) dst(%arg8 : memref<8x64xi32, #tpu.memory_space<vmem>>)
    %dma_start3A_21 = arith.constant 0 : i32
    %dma_start3A_22 = arith.constant 0 : i32
    %dma_start3A_23 = arith.constant 0 : i32
    %dma_start3A_24 = tpu.memref_slice %arg9[%dma_start3A_22, %dma_start3A_23] : memref<64x512xf32, #tpu.memory_space<vmem>> -> memref<64x256xf32, #tpu.memory_space<vmem>>
    %dma_start3A_25 = arith.constant 0 : i32
    %dma_start3A_26 = tpu.memref_slice %arg7[%dma_start3A_21, %dma_start3A_25] : memref<8x64xi32, #tpu.memory_space<vmem>> -> memref<1x64xi32, #tpu.memory_space<vmem>>
    %dma_start3A_27 = tpu.memref_squeeze %dma_start3A_26 : memref<1x64xi32, #tpu.memory_space<vmem>> -> memref<64xi32, #tpu.memory_space<vmem>>
    %dma_start3A_28 = arith.constant 0 : i32
    %dma_start3A_29 = arith.constant 0 : i32
    %dma_start3A_30 = tpu.memref_slice %arg4[%dma_start3A_28, %dma_start3A_29] : memref<100000x256xf32, #tpu.memory_space<hbm>> -> memref<100000x256xf32, #tpu.memory_space<hbm>>
    tpu.enqueue_indirect_dma source(%dma_start3A_30 : memref<100000x256xf32, #tpu.memory_space<hbm>>) target(%dma_start3A_24 : memref<64x256xf32, #tpu.memory_space<vmem>>) offsets(%dma_start3A_27 : memref<64xi32, #tpu.memory_space<vmem>>) semaphore(%arg12 : memref<!tpu.dma_semaphore, #tpu.memory_space<semaphore_mem>>)
    %dma_start3A_31 = arith.constant 0 : i32
    %dma_start3A_32 = arith.constant 0 : i32
    %dma_start3A_33 = arith.constant 256 : i32
    %dma_start3A_34 = tpu.memref_slice %arg9[%dma_start3A_32, %dma_start3A_33] : memref<64x512xf32, #tpu.memory_space<vmem>> -> memref<64x256xf32, #tpu.memory_space<vmem>>
    %dma_start3A_35 = arith.constant 0 : i32
    %dma_start3A_36 = tpu.memref_slice %arg8[%dma_start3A_31, %dma_start3A_35] : memref<8x64xi32, #tpu.memory_space<vmem>> -> memref<1x64xi32, #tpu.memory_space<vmem>>
    %dma_start3A_37 = tpu.memref_squeeze %dma_start3A_36 : memref<1x64xi32, #tpu.memory_space<vmem>> -> memref<64xi32, #tpu.memory_space<vmem>>
    %dma_start3A_38 = arith.constant 0 : i32
    %dma_start3A_39 = arith.constant 0 : i32
    %dma_start3A_40 = tpu.memref_slice %arg5[%dma_start3A_38, %dma_start3A_39] : memref<100000x256xf32, #tpu.memory_space<hbm>> -> memref<100000x256xf32, #tpu.memory_space<hbm>>
    tpu.enqueue_indirect_dma source(%dma_start3A_40 : memref<100000x256xf32, #tpu.memory_space<hbm>>) target(%dma_start3A_34 : memref<64x256xf32, #tpu.memory_space<vmem>>) offsets(%dma_start3A_37 : memref<64xi32, #tpu.memory_space<vmem>>) semaphore(%arg12 : memref<!tpu.dma_semaphore, #tpu.memory_space<semaphore_mem>>)
    %dma_start3A_41 = arith.constant 1 : i32
    %dma_start3A_42 = arith.constant 0 : i32
    %dma_start3A_43 = arith.constant 0 : i32
    %dma_start3A_44 = tpu.memref_slice %arg10[%dma_start3A_42, %dma_start3A_43] : memref<64x512xf32, #tpu.memory_space<vmem>> -> memref<64x256xf32, #tpu.memory_space<vmem>>
    %dma_start3A_45 = arith.constant 0 : i32
    %dma_start3A_46 = tpu.memref_slice %arg7[%dma_start3A_41, %dma_start3A_45] : memref<8x64xi32, #tpu.memory_space<vmem>> -> memref<1x64xi32, #tpu.memory_space<vmem>>
    %dma_start3A_47 = tpu.memref_squeeze %dma_start3A_46 : memref<1x64xi32, #tpu.memory_space<vmem>> -> memref<64xi32, #tpu.memory_space<vmem>>
    %dma_start3A_48 = arith.constant 0 : i32
    %dma_start3A_49 = arith.constant 0 : i32
    %dma_start3A_50 = tpu.memref_slice %arg4[%dma_start3A_48, %dma_start3A_49] : memref<100000x256xf32, #tpu.memory_space<hbm>> -> memref<100000x256xf32, #tpu.memory_space<hbm>>
    tpu.enqueue_indirect_dma source(%dma_start3A_50 : memref<100000x256xf32, #tpu.memory_space<hbm>>) target(%dma_start3A_44 : memref<64x256xf32, #tpu.memory_space<vmem>>) offsets(%dma_start3A_47 : memref<64xi32, #tpu.memory_space<vmem>>) semaphore(%arg13 : memref<!tpu.dma_semaphore, #tpu.memory_space<semaphore_mem>>)
    %dma_start3A_51 = arith.constant 1 : i32
    %dma_start3A_52 = arith.constant 0 : i32
    %dma_start3A_53 = arith.constant 256 : i32
    %dma_start3A_54 = tpu.memref_slice %arg10[%dma_start3A_52, %dma_start3A_53] : memref<64x512xf32, #tpu.memory_space<vmem>> -> memref<64x256xf32, #tpu.memory_space<vmem>>
    %dma_start3A_55 = arith.constant 0 : i32
    %dma_start3A_56 = tpu.memref_slice %arg8[%dma_start3A_51, %dma_start3A_55] : memref<8x64xi32, #tpu.memory_space<vmem>> -> memref<1x64xi32, #tpu.memory_space<vmem>>
    %dma_start3A_57 = tpu.memref_squeeze %dma_start3A_56 : memref<1x64xi32, #tpu.memory_space<vmem>> -> memref<64xi32, #tpu.memory_space<vmem>>
    %dma_start3A_58 = arith.constant 0 : i32
    %dma_start3A_59 = arith.constant 0 : i32
    %dma_start3A_60 = tpu.memref_slice %arg5[%dma_start3A_58, %dma_start3A_59] : memref<100000x256xf32, #tpu.memory_space<hbm>> -> memref<100000x256xf32, #tpu.memory_space<hbm>>
    tpu.enqueue_indirect_dma source(%dma_start3A_60 : memref<100000x256xf32, #tpu.memory_space<hbm>>) target(%dma_start3A_54 : memref<64x256xf32, #tpu.memory_space<vmem>>) offsets(%dma_start3A_57 : memref<64xi32, #tpu.memory_space<vmem>>) semaphore(%arg13 : memref<!tpu.dma_semaphore, #tpu.memory_space<semaphore_mem>>)
    %dma_wait3A_61 = arith.constant 0 : i32
    %dma_wait3A_62 = arith.constant 0 : i32
    %dma_wait3A_63 = arith.constant 0 : i32
    %dma_wait3A_64 = tpu.memref_slice %arg9[%dma_wait3A_62, %dma_wait3A_63] : memref<64x512xf32, #tpu.memory_space<vmem>> -> memref<64x256xf32, #tpu.memory_space<vmem>>
    %dma_wait3A_65 = arith.constant 0 : i32
    %dma_wait3A_66 = tpu.memref_slice %arg7[%dma_wait3A_61, %dma_wait3A_65] : memref<8x64xi32, #tpu.memory_space<vmem>> -> memref<1x64xi32, #tpu.memory_space<vmem>>
    %dma_wait3A_67 = tpu.memref_squeeze %dma_wait3A_66 : memref<1x64xi32, #tpu.memory_space<vmem>> -> memref<64xi32, #tpu.memory_space<vmem>>
    %dma_wait3A_68 = arith.constant 0 : i32
    %dma_wait3A_69 = arith.constant 0 : i32
    %dma_wait3A_70 = tpu.memref_slice %arg4[%dma_wait3A_68, %dma_wait3A_69] : memref<100000x256xf32, #tpu.memory_space<hbm>> -> memref<100000x256xf32, #tpu.memory_space<hbm>>
    tpu.wait_indirect_dma semaphore(%arg12 : memref<!tpu.dma_semaphore, #tpu.memory_space<semaphore_mem>>) src(%dma_wait3A_70 : memref<100000x256xf32, #tpu.memory_space<hbm>>) dst(%dma_wait3A_64 : memref<64x256xf32, #tpu.memory_space<vmem>>)
    %add3A_71 = arith.constant 0 : i32
    %add3A_72 = arith.addi %mul3A_2, %add3A_71 : i32
    %dma_start3A_73 = arith.constant 0 : i32
    %dma_start3A_74 = arith.constant 0 : i32
    %dma_start3A_75 = tpu.memref_slice %arg9[%dma_start3A_73, %dma_start3A_74] : memref<64x512xf32, #tpu.memory_space<vmem>> -> memref<64x256xf32, #tpu.memory_space<vmem>>
    %dma_start3A_76 = arith.constant 0 : i32
    %dma_start3A_77 = tpu.memref_slice %arg6[%add3A_72, %dma_start3A_76] : memref<16384x512xf32, #tpu.memory_space<hbm>> -> memref<64x256xf32, #tpu.memory_space<hbm>>
    %dma_start3A_78 = arith.constant 0 : i32
    %dma_start3A_79 = tpu.memref_slice %arg6[%add3A_72, %dma_start3A_78] : memref<16384x512xf32, #tpu.memory_space<hbm>> -> memref<64x256xf32, #tpu.memory_space<hbm>>
    %dma_start3A_80 = arith.constant 0 : i32
    %dma_start3A_81 = arith.constant 0 : i32
    %dma_start3A_82 = tpu.memref_slice %arg9[%dma_start3A_80, %dma_start3A_81] : memref<64x512xf32, #tpu.memory_space<vmem>> -> memref<64x256xf32, #tpu.memory_space<vmem>>
    tpu.enqueue_dma source(%dma_start3A_82 : memref<64x256xf32, #tpu.memory_space<vmem>>) target(%dma_start3A_79 : memref<64x256xf32, #tpu.memory_space<hbm>>) target_semaphore(%arg15 : memref<!tpu.dma_semaphore, #tpu.memory_space<semaphore_mem>>)
    %dma_wait3A_83 = arith.constant 0 : i32
    %dma_wait3A_84 = arith.constant 0 : i32
    %dma_wait3A_85 = arith.constant 256 : i32
    %dma_wait3A_86 = tpu.memref_slice %arg9[%dma_wait3A_84, %dma_wait3A_85] : memref<64x512xf32, #tpu.memory_space<vmem>> -> memref<64x256xf32, #tpu.memory_space<vmem>>
    %dma_wait3A_87 = arith.constant 0 : i32
    %dma_wait3A_88 = tpu.memref_slice %arg8[%dma_wait3A_83, %dma_wait3A_87] : memref<8x64xi32, #tpu.memory_space<vmem>> -> memref<1x64xi32, #tpu.memory_space<vmem>>
    %dma_wait3A_89 = tpu.memref_squeeze %dma_wait3A_88 : memref<1x64xi32, #tpu.memory_space<vmem>> -> memref<64xi32, #tpu.memory_space<vmem>>
    %dma_wait3A_90 = arith.constant 0 : i32
    %dma_wait3A_91 = arith.constant 0 : i32
    %dma_wait3A_92 = tpu.memref_slice %arg5[%dma_wait3A_90, %dma_wait3A_91] : memref<100000x256xf32, #tpu.memory_space<hbm>> -> memref<100000x256xf32, #tpu.memory_space<hbm>>
    tpu.wait_indirect_dma semaphore(%arg12 : memref<!tpu.dma_semaphore, #tpu.memory_space<semaphore_mem>>) src(%dma_wait3A_92 : memref<100000x256xf32, #tpu.memory_space<hbm>>) dst(%dma_wait3A_86 : memref<64x256xf32, #tpu.memory_space<vmem>>)
    %add3A_93 = arith.constant 0 : i32
    %add3A_94 = arith.addi %mul3A_2, %add3A_93 : i32
    %dma_start3A_95 = arith.constant 0 : i32
    %dma_start3A_96 = arith.constant 256 : i32
    %dma_start3A_97 = tpu.memref_slice %arg9[%dma_start3A_95, %dma_start3A_96] : memref<64x512xf32, #tpu.memory_space<vmem>> -> memref<64x256xf32, #tpu.memory_space<vmem>>
    %dma_start3A_98 = arith.constant 256 : i32
    %dma_start3A_99 = tpu.memref_slice %arg6[%add3A_94, %dma_start3A_98] : memref<16384x512xf32, #tpu.memory_space<hbm>> -> memref<64x256xf32, #tpu.memory_space<hbm>>
    %dma_start3A_100 = arith.constant 256 : i32
    %dma_start3A_101 = tpu.memref_slice %arg6[%add3A_94, %dma_start3A_100] : memref<16384x512xf32, #tpu.memory_space<hbm>> -> memref<64x256xf32, #tpu.memory_space<hbm>>
    %dma_start3A_102 = arith.constant 0 : i32
    %dma_start3A_103 = arith.constant 256 : i32
    %dma_start3A_104 = tpu.memref_slice %arg9[%dma_start3A_102, %dma_start3A_103] : memref<64x512xf32, #tpu.memory_space<vmem>> -> memref<64x256xf32, #tpu.memory_space<vmem>>
    tpu.enqueue_dma source(%dma_start3A_104 : memref<64x256xf32, #tpu.memory_space<vmem>>) target(%dma_start3A_101 : memref<64x256xf32, #tpu.memory_space<hbm>>) target_semaphore(%arg15 : memref<!tpu.dma_semaphore, #tpu.memory_space<semaphore_mem>>)
    %dma_start3A_105 = arith.constant 2 : i32
    %dma_start3A_106 = arith.constant 0 : i32
    %dma_start3A_107 = arith.constant 0 : i32
    %dma_start3A_108 = tpu.memref_slice %arg11[%dma_start3A_106, %dma_start3A_107] : memref<64x512xf32, #tpu.memory_space<vmem>> -> memref<64x256xf32, #tpu.memory_space<vmem>>
    %dma_start3A_109 = arith.constant 0 : i32
    %dma_start3A_110 = tpu.memref_slice %arg7[%dma_start3A_105, %dma_start3A_109] : memref<8x64xi32, #tpu.memory_space<vmem>> -> memref<1x64xi32, #tpu.memory_space<vmem>>
    %dma_start3A_111 = tpu.memref_squeeze %dma_start3A_110 : memref<1x64xi32, #tpu.memory_space<vmem>> -> memref<64xi32, #tpu.memory_space<vmem>>
    %dma_start3A_112 = arith.constant 0 : i32
    %dma_start3A_113 = arith.constant 0 : i32
    %dma_start3A_114 = tpu.memref_slice %arg4[%dma_start3A_112, %dma_start3A_113] : memref<100000x256xf32, #tpu.memory_space<hbm>> -> memref<100000x256xf32, #tpu.memory_space<hbm>>
    tpu.enqueue_indirect_dma source(%dma_start3A_114 : memref<100000x256xf32, #tpu.memory_space<hbm>>) target(%dma_start3A_108 : memref<64x256xf32, #tpu.memory_space<vmem>>) offsets(%dma_start3A_111 : memref<64xi32, #tpu.memory_space<vmem>>) semaphore(%arg14 : memref<!tpu.dma_semaphore, #tpu.memory_space<semaphore_mem>>)
    %dma_start3A_115 = arith.constant 2 : i32
    %dma_start3A_116 = arith.constant 0 : i32
    %dma_start3A_117 = arith.constant 256 : i32
    %dma_start3A_118 = tpu.memref_slice %arg11[%dma_start3A_116, %dma_start3A_117] : memref<64x512xf32, #tpu.memory_space<vmem>> -> memref<64x256xf32, #tpu.memory_space<vmem>>
    %dma_start3A_119 = arith.constant 0 : i32
    %dma_start3A_120 = tpu.memref_slice %arg8[%dma_start3A_115, %dma_start3A_119] : memref<8x64xi32, #tpu.memory_space<vmem>> -> memref<1x64xi32, #tpu.memory_space<vmem>>
    %dma_start3A_121 = tpu.memref_squeeze %dma_start3A_120 : memref<1x64xi32, #tpu.memory_space<vmem>> -> memref<64xi32, #tpu.memory_space<vmem>>
    %dma_start3A_122 = arith.constant 0 : i32
    %dma_start3A_123 = arith.constant 0 : i32
    %dma_start3A_124 = tpu.memref_slice %arg5[%dma_start3A_122, %dma_start3A_123] : memref<100000x256xf32, #tpu.memory_space<hbm>> -> memref<100000x256xf32, #tpu.memory_space<hbm>>
    tpu.enqueue_indirect_dma source(%dma_start3A_124 : memref<100000x256xf32, #tpu.memory_space<hbm>>) target(%dma_start3A_118 : memref<64x256xf32, #tpu.memory_space<vmem>>) offsets(%dma_start3A_121 : memref<64xi32, #tpu.memory_space<vmem>>) semaphore(%arg14 : memref<!tpu.dma_semaphore, #tpu.memory_space<semaphore_mem>>)
    %dma_wait3A_125 = arith.constant 1 : i32
    %dma_wait3A_126 = arith.constant 0 : i32
    %dma_wait3A_127 = arith.constant 0 : i32
    %dma_wait3A_128 = tpu.memref_slice %arg10[%dma_wait3A_126, %dma_wait3A_127] : memref<64x512xf32, #tpu.memory_space<vmem>> -> memref<64x256xf32, #tpu.memory_space<vmem>>
    %dma_wait3A_129 = arith.constant 0 : i32
    %dma_wait3A_130 = tpu.memref_slice %arg7[%dma_wait3A_125, %dma_wait3A_129] : memref<8x64xi32, #tpu.memory_space<vmem>> -> memref<1x64xi32, #tpu.memory_space<vmem>>
    %dma_wait3A_131 = tpu.memref_squeeze %dma_wait3A_130 : memref<1x64xi32, #tpu.memory_space<vmem>> -> memref<64xi32, #tpu.memory_space<vmem>>
    %dma_wait3A_132 = arith.constant 0 : i32
    %dma_wait3A_133 = arith.constant 0 : i32
    %dma_wait3A_134 = tpu.memref_slice %arg4[%dma_wait3A_132, %dma_wait3A_133] : memref<100000x256xf32, #tpu.memory_space<hbm>> -> memref<100000x256xf32, #tpu.memory_space<hbm>>
    tpu.wait_indirect_dma semaphore(%arg13 : memref<!tpu.dma_semaphore, #tpu.memory_space<semaphore_mem>>) src(%dma_wait3A_134 : memref<100000x256xf32, #tpu.memory_space<hbm>>) dst(%dma_wait3A_128 : memref<64x256xf32, #tpu.memory_space<vmem>>)
    %add3A_135 = arith.constant 64 : i32
    %add3A_136 = arith.addi %mul3A_2, %add3A_135 : i32
    %dma_start3A_137 = arith.constant 0 : i32
    %dma_start3A_138 = arith.constant 0 : i32
    %dma_start3A_139 = tpu.memref_slice %arg10[%dma_start3A_137, %dma_start3A_138] : memref<64x512xf32, #tpu.memory_space<vmem>> -> memref<64x256xf32, #tpu.memory_space<vmem>>
    %dma_start3A_140 = arith.constant 0 : i32
    %dma_start3A_141 = tpu.memref_slice %arg6[%add3A_136, %dma_start3A_140] : memref<16384x512xf32, #tpu.memory_space<hbm>> -> memref<64x256xf32, #tpu.memory_space<hbm>>
    %dma_start3A_142 = arith.constant 0 : i32
    %dma_start3A_143 = tpu.memref_slice %arg6[%add3A_136, %dma_start3A_142] : memref<16384x512xf32, #tpu.memory_space<hbm>> -> memref<64x256xf32, #tpu.memory_space<hbm>>
    %dma_start3A_144 = arith.constant 0 : i32
    %dma_start3A_145 = arith.constant 0 : i32
    %dma_start3A_146 = tpu.memref_slice %arg10[%dma_start3A_144, %dma_start3A_145] : memref<64x512xf32, #tpu.memory_space<vmem>> -> memref<64x256xf32, #tpu.memory_space<vmem>>
    tpu.enqueue_dma source(%dma_start3A_146 : memref<64x256xf32, #tpu.memory_space<vmem>>) target(%dma_start3A_143 : memref<64x256xf32, #tpu.memory_space<hbm>>) target_semaphore(%arg16 : memref<!tpu.dma_semaphore, #tpu.memory_space<semaphore_mem>>)
    %dma_wait3A_147 = arith.constant 1 : i32
    %dma_wait3A_148 = arith.constant 0 : i32
    %dma_wait3A_149 = arith.constant 256 : i32
    %dma_wait3A_150 = tpu.memref_slice %arg10[%dma_wait3A_148, %dma_wait3A_149] : memref<64x512xf32, #tpu.memory_space<vmem>> -> memref<64x256xf32, #tpu.memory_space<vmem>>
    %dma_wait3A_151 = arith.constant 0 : i32
    %dma_wait3A_152 = tpu.memref_slice %arg8[%dma_wait3A_147, %dma_wait3A_151] : memref<8x64xi32, #tpu.memory_space<vmem>> -> memref<1x64xi32, #tpu.memory_space<vmem>>
    %dma_wait3A_153 = tpu.memref_squeeze %dma_wait3A_152 : memref<1x64xi32, #tpu.memory_space<vmem>> -> memref<64xi32, #tpu.memory_space<vmem>>
    %dma_wait3A_154 = arith.constant 0 : i32
    %dma_wait3A_155 = arith.constant 0 : i32
    %dma_wait3A_156 = tpu.memref_slice %arg5[%dma_wait3A_154, %dma_wait3A_155] : memref<100000x256xf32, #tpu.memory_space<hbm>> -> memref<100000x256xf32, #tpu.memory_space<hbm>>
    tpu.wait_indirect_dma semaphore(%arg13 : memref<!tpu.dma_semaphore, #tpu.memory_space<semaphore_mem>>) src(%dma_wait3A_156 : memref<100000x256xf32, #tpu.memory_space<hbm>>) dst(%dma_wait3A_150 : memref<64x256xf32, #tpu.memory_space<vmem>>)
    %add3A_157 = arith.constant 64 : i32
    %add3A_158 = arith.addi %mul3A_2, %add3A_157 : i32
    %dma_start3A_159 = arith.constant 0 : i32
    %dma_start3A_160 = arith.constant 256 : i32
    %dma_start3A_161 = tpu.memref_slice %arg10[%dma_start3A_159, %dma_start3A_160] : memref<64x512xf32, #tpu.memory_space<vmem>> -> memref<64x256xf32, #tpu.memory_space<vmem>>
    %dma_start3A_162 = arith.constant 256 : i32
    %dma_start3A_163 = tpu.memref_slice %arg6[%add3A_158, %dma_start3A_162] : memref<16384x512xf32, #tpu.memory_space<hbm>> -> memref<64x256xf32, #tpu.memory_space<hbm>>
    %dma_start3A_164 = arith.constant 256 : i32
    %dma_start3A_165 = tpu.memref_slice %arg6[%add3A_158, %dma_start3A_164] : memref<16384x512xf32, #tpu.memory_space<hbm>> -> memref<64x256xf32, #tpu.memory_space<hbm>>
    %dma_start3A_166 = arith.constant 0 : i32
    %dma_start3A_167 = arith.constant 256 : i32
    %dma_start3A_168 = tpu.memref_slice %arg10[%dma_start3A_166, %dma_start3A_167] : memref<64x512xf32, #tpu.memory_space<vmem>> -> memref<64x256xf32, #tpu.memory_space<vmem>>
    tpu.enqueue_dma source(%dma_start3A_168 : memref<64x256xf32, #tpu.memory_space<vmem>>) target(%dma_start3A_165 : memref<64x256xf32, #tpu.memory_space<hbm>>) target_semaphore(%arg16 : memref<!tpu.dma_semaphore, #tpu.memory_space<semaphore_mem>>)
    %dma_wait3A_169 = arith.constant 0 : i32
    %dma_wait3A_170 = arith.constant 0 : i32
    %dma_wait3A_171 = tpu.memref_slice %arg9[%dma_wait3A_169, %dma_wait3A_170] : memref<64x512xf32, #tpu.memory_space<vmem>> -> memref<64x256xf32, #tpu.memory_space<vmem>>
    %dma_wait3A_172 = arith.constant 0 : i32
    %dma_wait3A_173 = tpu.memref_slice %arg6[%add3A_72, %dma_wait3A_172] : memref<16384x512xf32, #tpu.memory_space<hbm>> -> memref<64x256xf32, #tpu.memory_space<hbm>>
    %dma_wait3A_174 = arith.constant 0 : i32
    %dma_wait3A_175 = tpu.memref_slice %arg6[%add3A_72, %dma_wait3A_174] : memref<16384x512xf32, #tpu.memory_space<hbm>> -> memref<64x256xf32, #tpu.memory_space<hbm>>
    %dma_wait3A_176 = arith.constant 0 : i32
    %dma_wait3A_177 = arith.constant 0 : i32
    %dma_wait3A_178 = tpu.memref_slice %arg9[%dma_wait3A_176, %dma_wait3A_177] : memref<64x512xf32, #tpu.memory_space<vmem>> -> memref<64x256xf32, #tpu.memory_space<vmem>>
    tpu.wait_dma2 semaphore(%arg15 : memref<!tpu.dma_semaphore, #tpu.memory_space<semaphore_mem>>) src(%dma_wait3A_178 : memref<64x256xf32, #tpu.memory_space<vmem>>) dst(%dma_wait3A_175 : memref<64x256xf32, #tpu.memory_space<hbm>>)
    %dma_wait3A_179 = arith.constant 0 : i32
    %dma_wait3A_180 = arith.constant 256 : i32
    %dma_wait3A_181 = tpu.memref_slice %arg9[%dma_wait3A_179, %dma_wait3A_180] : memref<64x512xf32, #tpu.memory_space<vmem>> -> memref<64x256xf32, #tpu.memory_space<vmem>>
    %dma_wait3A_182 = arith.constant 256 : i32
    %dma_wait3A_183 = tpu.memref_slice %arg6[%add3A_94, %dma_wait3A_182] : memref<16384x512xf32, #tpu.memory_space<hbm>> -> memref<64x256xf32, #tpu.memory_space<hbm>>
    %dma_wait3A_184 = arith.constant 256 : i32
    %dma_wait3A_185 = tpu.memref_slice %arg6[%add3A_94, %dma_wait3A_184] : memref<16384x512xf32, #tpu.memory_space<hbm>> -> memref<64x256xf32, #tpu.memory_space<hbm>>
    %dma_wait3A_186 = arith.constant 0 : i32
    %dma_wait3A_187 = arith.constant 256 : i32
    %dma_wait3A_188 = tpu.memref_slice %arg9[%dma_wait3A_186, %dma_wait3A_187] : memref<64x512xf32, #tpu.memory_space<vmem>> -> memref<64x256xf32, #tpu.memory_space<vmem>>
    tpu.wait_dma2 semaphore(%arg15 : memref<!tpu.dma_semaphore, #tpu.memory_space<semaphore_mem>>) src(%dma_wait3A_188 : memref<64x256xf32, #tpu.memory_space<vmem>>) dst(%dma_wait3A_185 : memref<64x256xf32, #tpu.memory_space<hbm>>)
    %dma_start3A_189 = arith.constant 3 : i32
    %dma_start3A_190 = arith.constant 0 : i32
    %dma_start3A_191 = arith.constant 0 : i32
    %dma_start3A_192 = tpu.memref_slice %arg9[%dma_start3A_190, %dma_start3A_191] : memref<64x512xf32, #tpu.memory_space<vmem>> -> memref<64x256xf32, #tpu.memory_space<vmem>>
    %dma_start3A_193 = arith.constant 0 : i32
    %dma_start3A_194 = tpu.memref_slice %arg7[%dma_start3A_189, %dma_start3A_193] : memref<8x64xi32, #tpu.memory_space<vmem>> -> memref<1x64xi32, #tpu.memory_space<vmem>>
    %dma_start3A_195 = tpu.memref_squeeze %dma_start3A_194 : memref<1x64xi32, #tpu.memory_space<vmem>> -> memref<64xi32, #tpu.memory_space<vmem>>
    %dma_start3A_196 = arith.constant 0 : i32
    %dma_start3A_197 = arith.constant 0 : i32
    %dma_start3A_198 = tpu.memref_slice %arg4[%dma_start3A_196, %dma_start3A_197] : memref<100000x256xf32, #tpu.memory_space<hbm>> -> memref<100000x256xf32, #tpu.memory_space<hbm>>
    tpu.enqueue_indirect_dma source(%dma_start3A_198 : memref<100000x256xf32, #tpu.memory_space<hbm>>) target(%dma_start3A_192 : memref<64x256xf32, #tpu.memory_space<vmem>>) offsets(%dma_start3A_195 : memref<64xi32, #tpu.memory_space<vmem>>) semaphore(%arg12 : memref<!tpu.dma_semaphore, #tpu.memory_space<semaphore_mem>>)
    %dma_start3A_199 = arith.constant 3 : i32
    %dma_start3A_200 = arith.constant 0 : i32
    %dma_start3A_201 = arith.constant 256 : i32
    %dma_start3A_202 = tpu.memref_slice %arg9[%dma_start3A_200, %dma_start3A_201] : memref<64x512xf32, #tpu.memory_space<vmem>> -> memref<64x256xf32, #tpu.memory_space<vmem>>
    %dma_start3A_203 = arith.constant 0 : i32
    %dma_start3A_204 = tpu.memref_slice %arg8[%dma_start3A_199, %dma_start3A_203] : memref<8x64xi32, #tpu.memory_space<vmem>> -> memref<1x64xi32, #tpu.memory_space<vmem>>
    %dma_start3A_205 = tpu.memref_squeeze %dma_start3A_204 : memref<1x64xi32, #tpu.memory_space<vmem>> -> memref<64xi32, #tpu.memory_space<vmem>>
    %dma_start3A_206 = arith.constant 0 : i32
    %dma_start3A_207 = arith.constant 0 : i32
    %dma_start3A_208 = tpu.memref_slice %arg5[%dma_start3A_206, %dma_start3A_207] : memref<100000x256xf32, #tpu.memory_space<hbm>> -> memref<100000x256xf32, #tpu.memory_space<hbm>>
    tpu.enqueue_indirect_dma source(%dma_start3A_208 : memref<100000x256xf32, #tpu.memory_space<hbm>>) target(%dma_start3A_202 : memref<64x256xf32, #tpu.memory_space<vmem>>) offsets(%dma_start3A_205 : memref<64xi32, #tpu.memory_space<vmem>>) semaphore(%arg12 : memref<!tpu.dma_semaphore, #tpu.memory_space<semaphore_mem>>)
    %dma_wait3A_209 = arith.constant 2 : i32
    %dma_wait3A_210 = arith.constant 0 : i32
    %dma_wait3A_211 = arith.constant 0 : i32
    %dma_wait3A_212 = tpu.memref_slice %arg11[%dma_wait3A_210, %dma_wait3A_211] : memref<64x512xf32, #tpu.memory_space<vmem>> -> memref<64x256xf32, #tpu.memory_space<vmem>>
    %dma_wait3A_213 = arith.constant 0 : i32
    %dma_wait3A_214 = tpu.memref_slice %arg7[%dma_wait3A_209, %dma_wait3A_213] : memref<8x64xi32, #tpu.memory_space<vmem>> -> memref<1x64xi32, #tpu.memory_space<vmem>>
    %dma_wait3A_215 = tpu.memref_squeeze %dma_wait3A_214 : memref<1x64xi32, #tpu.memory_space<vmem>> -> memref<64xi32, #tpu.memory_space<vmem>>
    %dma_wait3A_216 = arith.constant 0 : i32
    %dma_wait3A_217 = arith.constant 0 : i32
    %dma_wait3A_218 = tpu.memref_slice %arg4[%dma_wait3A_216, %dma_wait3A_217] : memref<100000x256xf32, #tpu.memory_space<hbm>> -> memref<100000x256xf32, #tpu.memory_space<hbm>>
    tpu.wait_indirect_dma semaphore(%arg14 : memref<!tpu.dma_semaphore, #tpu.memory_space<semaphore_mem>>) src(%dma_wait3A_218 : memref<100000x256xf32, #tpu.memory_space<hbm>>) dst(%dma_wait3A_212 : memref<64x256xf32, #tpu.memory_space<vmem>>)
    %add3A_219 = arith.constant 128 : i32
    %add3A_220 = arith.addi %mul3A_2, %add3A_219 : i32
    %dma_start3A_221 = arith.constant 0 : i32
    %dma_start3A_222 = arith.constant 0 : i32
    %dma_start3A_223 = tpu.memref_slice %arg11[%dma_start3A_221, %dma_start3A_222] : memref<64x512xf32, #tpu.memory_space<vmem>> -> memref<64x256xf32, #tpu.memory_space<vmem>>
    %dma_start3A_224 = arith.constant 0 : i32
    %dma_start3A_225 = tpu.memref_slice %arg6[%add3A_220, %dma_start3A_224] : memref<16384x512xf32, #tpu.memory_space<hbm>> -> memref<64x256xf32, #tpu.memory_space<hbm>>
    %dma_start3A_226 = arith.constant 0 : i32
    %dma_start3A_227 = tpu.memref_slice %arg6[%add3A_220, %dma_start3A_226] : memref<16384x512xf32, #tpu.memory_space<hbm>> -> memref<64x256xf32, #tpu.memory_space<hbm>>
    %dma_start3A_228 = arith.constant 0 : i32
    %dma_start3A_229 = arith.constant 0 : i32
    %dma_start3A_230 = tpu.memref_slice %arg11[%dma_start3A_228, %dma_start3A_229] : memref<64x512xf32, #tpu.memory_space<vmem>> -> memref<64x256xf32, #tpu.memory_space<vmem>>
    tpu.enqueue_dma source(%dma_start3A_230 : memref<64x256xf32, #tpu.memory_space<vmem>>) target(%dma_start3A_227 : memref<64x256xf32, #tpu.memory_space<hbm>>) target_semaphore(%arg17 : memref<!tpu.dma_semaphore, #tpu.memory_space<semaphore_mem>>)
    %dma_wait3A_231 = arith.constant 2 : i32
    %dma_wait3A_232 = arith.constant 0 : i32
    %dma_wait3A_233 = arith.constant 256 : i32
    %dma_wait3A_234 = tpu.memref_slice %arg11[%dma_wait3A_232, %dma_wait3A_233] : memref<64x512xf32, #tpu.memory_space<vmem>> -> memref<64x256xf32, #tpu.memory_space<vmem>>
    %dma_wait3A_235 = arith.constant 0 : i32
    %dma_wait3A_236 = tpu.memref_slice %arg8[%dma_wait3A_231, %dma_wait3A_235] : memref<8x64xi32, #tpu.memory_space<vmem>> -> memref<1x64xi32, #tpu.memory_space<vmem>>
    %dma_wait3A_237 = tpu.memref_squeeze %dma_wait3A_236 : memref<1x64xi32, #tpu.memory_space<vmem>> -> memref<64xi32, #tpu.memory_space<vmem>>
    %dma_wait3A_238 = arith.constant 0 : i32
    %dma_wait3A_239 = arith.constant 0 : i32
    %dma_wait3A_240 = tpu.memref_slice %arg5[%dma_wait3A_238, %dma_wait3A_239] : memref<100000x256xf32, #tpu.memory_space<hbm>> -> memref<100000x256xf32, #tpu.memory_space<hbm>>
    tpu.wait_indirect_dma semaphore(%arg14 : memref<!tpu.dma_semaphore, #tpu.memory_space<semaphore_mem>>) src(%dma_wait3A_240 : memref<100000x256xf32, #tpu.memory_space<hbm>>) dst(%dma_wait3A_234 : memref<64x256xf32, #tpu.memory_space<vmem>>)
    %add3A_241 = arith.constant 128 : i32
    %add3A_242 = arith.addi %mul3A_2, %add3A_241 : i32
    %dma_start3A_243 = arith.constant 0 : i32
    %dma_start3A_244 = arith.constant 256 : i32
    %dma_start3A_245 = tpu.memref_slice %arg11[%dma_start3A_243, %dma_start3A_244] : memref<64x512xf32, #tpu.memory_space<vmem>> -> memref<64x256xf32, #tpu.memory_space<vmem>>
    %dma_start3A_246 = arith.constant 256 : i32
    %dma_start3A_247 = tpu.memref_slice %arg6[%add3A_242, %dma_start3A_246] : memref<16384x512xf32, #tpu.memory_space<hbm>> -> memref<64x256xf32, #tpu.memory_space<hbm>>
    %dma_start3A_248 = arith.constant 256 : i32
    %dma_start3A_249 = tpu.memref_slice %arg6[%add3A_242, %dma_start3A_248] : memref<16384x512xf32, #tpu.memory_space<hbm>> -> memref<64x256xf32, #tpu.memory_space<hbm>>
    %dma_start3A_250 = arith.constant 0 : i32
    %dma_start3A_251 = arith.constant 256 : i32
    %dma_start3A_252 = tpu.memref_slice %arg11[%dma_start3A_250, %dma_start3A_251] : memref<64x512xf32, #tpu.memory_space<vmem>> -> memref<64x256xf32, #tpu.memory_space<vmem>>
    tpu.enqueue_dma source(%dma_start3A_252 : memref<64x256xf32, #tpu.memory_space<vmem>>) target(%dma_start3A_249 : memref<64x256xf32, #tpu.memory_space<hbm>>) target_semaphore(%arg17 : memref<!tpu.dma_semaphore, #tpu.memory_space<semaphore_mem>>)
    %dma_wait3A_253 = arith.constant 0 : i32
    %dma_wait3A_254 = arith.constant 0 : i32
    %dma_wait3A_255 = tpu.memref_slice %arg10[%dma_wait3A_253, %dma_wait3A_254] : memref<64x512xf32, #tpu.memory_space<vmem>> -> memref<64x256xf32, #tpu.memory_space<vmem>>
    %dma_wait3A_256 = arith.constant 0 : i32
    %dma_wait3A_257 = tpu.memref_slice %arg6[%add3A_136, %dma_wait3A_256] : memref<16384x512xf32, #tpu.memory_space<hbm>> -> memref<64x256xf32, #tpu.memory_space<hbm>>
    %dma_wait3A_258 = arith.constant 0 : i32
    %dma_wait3A_259 = tpu.memref_slice %arg6[%add3A_136, %dma_wait3A_258] : memref<16384x512xf32, #tpu.memory_space<hbm>> -> memref<64x256xf32, #tpu.memory_space<hbm>>
    %dma_wait3A_260 = arith.constant 0 : i32
    %dma_wait3A_261 = arith.constant 0 : i32
    %dma_wait3A_262 = tpu.memref_slice %arg10[%dma_wait3A_260, %dma_wait3A_261] : memref<64x512xf32, #tpu.memory_space<vmem>> -> memref<64x256xf32, #tpu.memory_space<vmem>>
    tpu.wait_dma2 semaphore(%arg16 : memref<!tpu.dma_semaphore, #tpu.memory_space<semaphore_mem>>) src(%dma_wait3A_262 : memref<64x256xf32, #tpu.memory_space<vmem>>) dst(%dma_wait3A_259 : memref<64x256xf32, #tpu.memory_space<hbm>>)
    %dma_wait3A_263 = arith.constant 0 : i32
    %dma_wait3A_264 = arith.constant 256 : i32
    %dma_wait3A_265 = tpu.memref_slice %arg10[%dma_wait3A_263, %dma_wait3A_264] : memref<64x512xf32, #tpu.memory_space<vmem>> -> memref<64x256xf32, #tpu.memory_space<vmem>>
    %dma_wait3A_266 = arith.constant 256 : i32
    %dma_wait3A_267 = tpu.memref_slice %arg6[%add3A_158, %dma_wait3A_266] : memref<16384x512xf32, #tpu.memory_space<hbm>> -> memref<64x256xf32, #tpu.memory_space<hbm>>
    %dma_wait3A_268 = arith.constant 256 : i32
    %dma_wait3A_269 = tpu.memref_slice %arg6[%add3A_158, %dma_wait3A_268] : memref<16384x512xf32, #tpu.memory_space<hbm>> -> memref<64x256xf32, #tpu.memory_space<hbm>>
    %dma_wait3A_270 = arith.constant 0 : i32
    %dma_wait3A_271 = arith.constant 256 : i32
    %dma_wait3A_272 = tpu.memref_slice %arg10[%dma_wait3A_270, %dma_wait3A_271] : memref<64x512xf32, #tpu.memory_space<vmem>> -> memref<64x256xf32, #tpu.memory_space<vmem>>
    tpu.wait_dma2 semaphore(%arg16 : memref<!tpu.dma_semaphore, #tpu.memory_space<semaphore_mem>>) src(%dma_wait3A_272 : memref<64x256xf32, #tpu.memory_space<vmem>>) dst(%dma_wait3A_269 : memref<64x256xf32, #tpu.memory_space<hbm>>)
    %dma_start3A_273 = arith.constant 4 : i32
    %dma_start3A_274 = arith.constant 0 : i32
    %dma_start3A_275 = arith.constant 0 : i32
    %dma_start3A_276 = tpu.memref_slice %arg10[%dma_start3A_274, %dma_start3A_275] : memref<64x512xf32, #tpu.memory_space<vmem>> -> memref<64x256xf32, #tpu.memory_space<vmem>>
    %dma_start3A_277 = arith.constant 0 : i32
    %dma_start3A_278 = tpu.memref_slice %arg7[%dma_start3A_273, %dma_start3A_277] : memref<8x64xi32, #tpu.memory_space<vmem>> -> memref<1x64xi32, #tpu.memory_space<vmem>>
    %dma_start3A_279 = tpu.memref_squeeze %dma_start3A_278 : memref<1x64xi32, #tpu.memory_space<vmem>> -> memref<64xi32, #tpu.memory_space<vmem>>
    %dma_start3A_280 = arith.constant 0 : i32
    %dma_start3A_281 = arith.constant 0 : i32
    %dma_start3A_282 = tpu.memref_slice %arg4[%dma_start3A_280, %dma_start3A_281] : memref<100000x256xf32, #tpu.memory_space<hbm>> -> memref<100000x256xf32, #tpu.memory_space<hbm>>
    tpu.enqueue_indirect_dma source(%dma_start3A_282 : memref<100000x256xf32, #tpu.memory_space<hbm>>) target(%dma_start3A_276 : memref<64x256xf32, #tpu.memory_space<vmem>>) offsets(%dma_start3A_279 : memref<64xi32, #tpu.memory_space<vmem>>) semaphore(%arg13 : memref<!tpu.dma_semaphore, #tpu.memory_space<semaphore_mem>>)
    %dma_start3A_283 = arith.constant 4 : i32
    %dma_start3A_284 = arith.constant 0 : i32
    %dma_start3A_285 = arith.constant 256 : i32
    %dma_start3A_286 = tpu.memref_slice %arg10[%dma_start3A_284, %dma_start3A_285] : memref<64x512xf32, #tpu.memory_space<vmem>> -> memref<64x256xf32, #tpu.memory_space<vmem>>
    %dma_start3A_287 = arith.constant 0 : i32
    %dma_start3A_288 = tpu.memref_slice %arg8[%dma_start3A_283, %dma_start3A_287] : memref<8x64xi32, #tpu.memory_space<vmem>> -> memref<1x64xi32, #tpu.memory_space<vmem>>
    %dma_start3A_289 = tpu.memref_squeeze %dma_start3A_288 : memref<1x64xi32, #tpu.memory_space<vmem>> -> memref<64xi32, #tpu.memory_space<vmem>>
    %dma_start3A_290 = arith.constant 0 : i32
    %dma_start3A_291 = arith.constant 0 : i32
    %dma_start3A_292 = tpu.memref_slice %arg5[%dma_start3A_290, %dma_start3A_291] : memref<100000x256xf32, #tpu.memory_space<hbm>> -> memref<100000x256xf32, #tpu.memory_space<hbm>>
    tpu.enqueue_indirect_dma source(%dma_start3A_292 : memref<100000x256xf32, #tpu.memory_space<hbm>>) target(%dma_start3A_286 : memref<64x256xf32, #tpu.memory_space<vmem>>) offsets(%dma_start3A_289 : memref<64xi32, #tpu.memory_space<vmem>>) semaphore(%arg13 : memref<!tpu.dma_semaphore, #tpu.memory_space<semaphore_mem>>)
    %dma_wait3A_293 = arith.constant 3 : i32
    %dma_wait3A_294 = arith.constant 0 : i32
    %dma_wait3A_295 = arith.constant 0 : i32
    %dma_wait3A_296 = tpu.memref_slice %arg9[%dma_wait3A_294, %dma_wait3A_295] : memref<64x512xf32, #tpu.memory_space<vmem>> -> memref<64x256xf32, #tpu.memory_space<vmem>>
    %dma_wait3A_297 = arith.constant 0 : i32
    %dma_wait3A_298 = tpu.memref_slice %arg7[%dma_wait3A_293, %dma_wait3A_297] : memref<8x64xi32, #tpu.memory_space<vmem>> -> memref<1x64xi32, #tpu.memory_space<vmem>>
    %dma_wait3A_299 = tpu.memref_squeeze %dma_wait3A_298 : memref<1x64xi32, #tpu.memory_space<vmem>> -> memref<64xi32, #tpu.memory_space<vmem>>
    %dma_wait3A_300 = arith.constant 0 : i32
    %dma_wait3A_301 = arith.constant 0 : i32
    %dma_wait3A_302 = tpu.memref_slice %arg4[%dma_wait3A_300, %dma_wait3A_301] : memref<100000x256xf32, #tpu.memory_space<hbm>> -> memref<100000x256xf32, #tpu.memory_space<hbm>>
    tpu.wait_indirect_dma semaphore(%arg12 : memref<!tpu.dma_semaphore, #tpu.memory_space<semaphore_mem>>) src(%dma_wait3A_302 : memref<100000x256xf32, #tpu.memory_space<hbm>>) dst(%dma_wait3A_296 : memref<64x256xf32, #tpu.memory_space<vmem>>)
    %add3A_303 = arith.constant 192 : i32
    %add3A_304 = arith.addi %mul3A_2, %add3A_303 : i32
    %dma_start3A_305 = arith.constant 0 : i32
    %dma_start3A_306 = arith.constant 0 : i32
    %dma_start3A_307 = tpu.memref_slice %arg9[%dma_start3A_305, %dma_start3A_306] : memref<64x512xf32, #tpu.memory_space<vmem>> -> memref<64x256xf32, #tpu.memory_space<vmem>>
    %dma_start3A_308 = arith.constant 0 : i32
    %dma_start3A_309 = tpu.memref_slice %arg6[%add3A_304, %dma_start3A_308] : memref<16384x512xf32, #tpu.memory_space<hbm>> -> memref<64x256xf32, #tpu.memory_space<hbm>>
    %dma_start3A_310 = arith.constant 0 : i32
    %dma_start3A_311 = tpu.memref_slice %arg6[%add3A_304, %dma_start3A_310] : memref<16384x512xf32, #tpu.memory_space<hbm>> -> memref<64x256xf32, #tpu.memory_space<hbm>>
    %dma_start3A_312 = arith.constant 0 : i32
    %dma_start3A_313 = arith.constant 0 : i32
    %dma_start3A_314 = tpu.memref_slice %arg9[%dma_start3A_312, %dma_start3A_313] : memref<64x512xf32, #tpu.memory_space<vmem>> -> memref<64x256xf32, #tpu.memory_space<vmem>>
    tpu.enqueue_dma source(%dma_start3A_314 : memref<64x256xf32, #tpu.memory_space<vmem>>) target(%dma_start3A_311 : memref<64x256xf32, #tpu.memory_space<hbm>>) target_semaphore(%arg15 : memref<!tpu.dma_semaphore, #tpu.memory_space<semaphore_mem>>)
    %dma_wait3A_315 = arith.constant 3 : i32
    %dma_wait3A_316 = arith.constant 0 : i32
    %dma_wait3A_317 = arith.constant 256 : i32
    %dma_wait3A_318 = tpu.memref_slice %arg9[%dma_wait3A_316, %dma_wait3A_317] : memref<64x512xf32, #tpu.memory_space<vmem>> -> memref<64x256xf32, #tpu.memory_space<vmem>>
    %dma_wait3A_319 = arith.constant 0 : i32
    %dma_wait3A_320 = tpu.memref_slice %arg8[%dma_wait3A_315, %dma_wait3A_319] : memref<8x64xi32, #tpu.memory_space<vmem>> -> memref<1x64xi32, #tpu.memory_space<vmem>>
    %dma_wait3A_321 = tpu.memref_squeeze %dma_wait3A_320 : memref<1x64xi32, #tpu.memory_space<vmem>> -> memref<64xi32, #tpu.memory_space<vmem>>
    %dma_wait3A_322 = arith.constant 0 : i32
    %dma_wait3A_323 = arith.constant 0 : i32
    %dma_wait3A_324 = tpu.memref_slice %arg5[%dma_wait3A_322, %dma_wait3A_323] : memref<100000x256xf32, #tpu.memory_space<hbm>> -> memref<100000x256xf32, #tpu.memory_space<hbm>>
    tpu.wait_indirect_dma semaphore(%arg12 : memref<!tpu.dma_semaphore, #tpu.memory_space<semaphore_mem>>) src(%dma_wait3A_324 : memref<100000x256xf32, #tpu.memory_space<hbm>>) dst(%dma_wait3A_318 : memref<64x256xf32, #tpu.memory_space<vmem>>)
    %add3A_325 = arith.constant 192 : i32
    %add3A_326 = arith.addi %mul3A_2, %add3A_325 : i32
    %dma_start3A_327 = arith.constant 0 : i32
    %dma_start3A_328 = arith.constant 256 : i32
    %dma_start3A_329 = tpu.memref_slice %arg9[%dma_start3A_327, %dma_start3A_328] : memref<64x512xf32, #tpu.memory_space<vmem>> -> memref<64x256xf32, #tpu.memory_space<vmem>>
    %dma_start3A_330 = arith.constant 256 : i32
    %dma_start3A_331 = tpu.memref_slice %arg6[%add3A_326, %dma_start3A_330] : memref<16384x512xf32, #tpu.memory_space<hbm>> -> memref<64x256xf32, #tpu.memory_space<hbm>>
    %dma_start3A_332 = arith.constant 256 : i32
    %dma_start3A_333 = tpu.memref_slice %arg6[%add3A_326, %dma_start3A_332] : memref<16384x512xf32, #tpu.memory_space<hbm>> -> memref<64x256xf32, #tpu.memory_space<hbm>>
    %dma_start3A_334 = arith.constant 0 : i32
    %dma_start3A_335 = arith.constant 256 : i32
    %dma_start3A_336 = tpu.memref_slice %arg9[%dma_start3A_334, %dma_start3A_335] : memref<64x512xf32, #tpu.memory_space<vmem>> -> memref<64x256xf32, #tpu.memory_space<vmem>>
    tpu.enqueue_dma source(%dma_start3A_336 : memref<64x256xf32, #tpu.memory_space<vmem>>) target(%dma_start3A_333 : memref<64x256xf32, #tpu.memory_space<hbm>>) target_semaphore(%arg15 : memref<!tpu.dma_semaphore, #tpu.memory_space<semaphore_mem>>)
    %dma_wait3A_337 = arith.constant 0 : i32
    %dma_wait3A_338 = arith.constant 0 : i32
    %dma_wait3A_339 = tpu.memref_slice %arg11[%dma_wait3A_337, %dma_wait3A_338] : memref<64x512xf32, #tpu.memory_space<vmem>> -> memref<64x256xf32, #tpu.memory_space<vmem>>
    %dma_wait3A_340 = arith.constant 0 : i32
    %dma_wait3A_341 = tpu.memref_slice %arg6[%add3A_220, %dma_wait3A_340] : memref<16384x512xf32, #tpu.memory_space<hbm>> -> memref<64x256xf32, #tpu.memory_space<hbm>>
    %dma_wait3A_342 = arith.constant 0 : i32
    %dma_wait3A_343 = tpu.memref_slice %arg6[%add3A_220, %dma_wait3A_342] : memref<16384x512xf32, #tpu.memory_space<hbm>> -> memref<64x256xf32, #tpu.memory_space<hbm>>
    %dma_wait3A_344 = arith.constant 0 : i32
    %dma_wait3A_345 = arith.constant 0 : i32
    %dma_wait3A_346 = tpu.memref_slice %arg11[%dma_wait3A_344, %dma_wait3A_345] : memref<64x512xf32, #tpu.memory_space<vmem>> -> memref<64x256xf32, #tpu.memory_space<vmem>>
    tpu.wait_dma2 semaphore(%arg17 : memref<!tpu.dma_semaphore, #tpu.memory_space<semaphore_mem>>) src(%dma_wait3A_346 : memref<64x256xf32, #tpu.memory_space<vmem>>) dst(%dma_wait3A_343 : memref<64x256xf32, #tpu.memory_space<hbm>>)
    %dma_wait3A_347 = arith.constant 0 : i32
    %dma_wait3A_348 = arith.constant 256 : i32
    %dma_wait3A_349 = tpu.memref_slice %arg11[%dma_wait3A_347, %dma_wait3A_348] : memref<64x512xf32, #tpu.memory_space<vmem>> -> memref<64x256xf32, #tpu.memory_space<vmem>>
    %dma_wait3A_350 = arith.constant 256 : i32
    %dma_wait3A_351 = tpu.memref_slice %arg6[%add3A_242, %dma_wait3A_350] : memref<16384x512xf32, #tpu.memory_space<hbm>> -> memref<64x256xf32, #tpu.memory_space<hbm>>
    %dma_wait3A_352 = arith.constant 256 : i32
    %dma_wait3A_353 = tpu.memref_slice %arg6[%add3A_242, %dma_wait3A_352] : memref<16384x512xf32, #tpu.memory_space<hbm>> -> memref<64x256xf32, #tpu.memory_space<hbm>>
    %dma_wait3A_354 = arith.constant 0 : i32
    %dma_wait3A_355 = arith.constant 256 : i32
    %dma_wait3A_356 = tpu.memref_slice %arg11[%dma_wait3A_354, %dma_wait3A_355] : memref<64x512xf32, #tpu.memory_space<vmem>> -> memref<64x256xf32, #tpu.memory_space<vmem>>
    tpu.wait_dma2 semaphore(%arg17 : memref<!tpu.dma_semaphore, #tpu.memory_space<semaphore_mem>>) src(%dma_wait3A_356 : memref<64x256xf32, #tpu.memory_space<vmem>>) dst(%dma_wait3A_353 : memref<64x256xf32, #tpu.memory_space<hbm>>)
    %dma_start3A_357 = arith.constant 5 : i32
    %dma_start3A_358 = arith.constant 0 : i32
    %dma_start3A_359 = arith.constant 0 : i32
    %dma_start3A_360 = tpu.memref_slice %arg11[%dma_start3A_358, %dma_start3A_359] : memref<64x512xf32, #tpu.memory_space<vmem>> -> memref<64x256xf32, #tpu.memory_space<vmem>>
    %dma_start3A_361 = arith.constant 0 : i32
    %dma_start3A_362 = tpu.memref_slice %arg7[%dma_start3A_357, %dma_start3A_361] : memref<8x64xi32, #tpu.memory_space<vmem>> -> memref<1x64xi32, #tpu.memory_space<vmem>>
    %dma_start3A_363 = tpu.memref_squeeze %dma_start3A_362 : memref<1x64xi32, #tpu.memory_space<vmem>> -> memref<64xi32, #tpu.memory_space<vmem>>
    %dma_start3A_364 = arith.constant 0 : i32
    %dma_start3A_365 = arith.constant 0 : i32
    %dma_start3A_366 = tpu.memref_slice %arg4[%dma_start3A_364, %dma_start3A_365] : memref<100000x256xf32, #tpu.memory_space<hbm>> -> memref<100000x256xf32, #tpu.memory_space<hbm>>
    tpu.enqueue_indirect_dma source(%dma_start3A_366 : memref<100000x256xf32, #tpu.memory_space<hbm>>) target(%dma_start3A_360 : memref<64x256xf32, #tpu.memory_space<vmem>>) offsets(%dma_start3A_363 : memref<64xi32, #tpu.memory_space<vmem>>) semaphore(%arg14 : memref<!tpu.dma_semaphore, #tpu.memory_space<semaphore_mem>>)
    %dma_start3A_367 = arith.constant 5 : i32
    %dma_start3A_368 = arith.constant 0 : i32
    %dma_start3A_369 = arith.constant 256 : i32
    %dma_start3A_370 = tpu.memref_slice %arg11[%dma_start3A_368, %dma_start3A_369] : memref<64x512xf32, #tpu.memory_space<vmem>> -> memref<64x256xf32, #tpu.memory_space<vmem>>
    %dma_start3A_371 = arith.constant 0 : i32
    %dma_start3A_372 = tpu.memref_slice %arg8[%dma_start3A_367, %dma_start3A_371] : memref<8x64xi32, #tpu.memory_space<vmem>> -> memref<1x64xi32, #tpu.memory_space<vmem>>
    %dma_start3A_373 = tpu.memref_squeeze %dma_start3A_372 : memref<1x64xi32, #tpu.memory_space<vmem>> -> memref<64xi32, #tpu.memory_space<vmem>>
    %dma_start3A_374 = arith.constant 0 : i32
    %dma_start3A_375 = arith.constant 0 : i32
    %dma_start3A_376 = tpu.memref_slice %arg5[%dma_start3A_374, %dma_start3A_375] : memref<100000x256xf32, #tpu.memory_space<hbm>> -> memref<100000x256xf32, #tpu.memory_space<hbm>>
    tpu.enqueue_indirect_dma source(%dma_start3A_376 : memref<100000x256xf32, #tpu.memory_space<hbm>>) target(%dma_start3A_370 : memref<64x256xf32, #tpu.memory_space<vmem>>) offsets(%dma_start3A_373 : memref<64xi32, #tpu.memory_space<vmem>>) semaphore(%arg14 : memref<!tpu.dma_semaphore, #tpu.memory_space<semaphore_mem>>)
    %dma_wait3A_377 = arith.constant 4 : i32
    %dma_wait3A_378 = arith.constant 0 : i32
    %dma_wait3A_379 = arith.constant 0 : i32
    %dma_wait3A_380 = tpu.memref_slice %arg10[%dma_wait3A_378, %dma_wait3A_379] : memref<64x512xf32, #tpu.memory_space<vmem>> -> memref<64x256xf32, #tpu.memory_space<vmem>>
    %dma_wait3A_381 = arith.constant 0 : i32
    %dma_wait3A_382 = tpu.memref_slice %arg7[%dma_wait3A_377, %dma_wait3A_381] : memref<8x64xi32, #tpu.memory_space<vmem>> -> memref<1x64xi32, #tpu.memory_space<vmem>>
    %dma_wait3A_383 = tpu.memref_squeeze %dma_wait3A_382 : memref<1x64xi32, #tpu.memory_space<vmem>> -> memref<64xi32, #tpu.memory_space<vmem>>
    %dma_wait3A_384 = arith.constant 0 : i32
    %dma_wait3A_385 = arith.constant 0 : i32
    %dma_wait3A_386 = tpu.memref_slice %arg4[%dma_wait3A_384, %dma_wait3A_385] : memref<100000x256xf32, #tpu.memory_space<hbm>> -> memref<100000x256xf32, #tpu.memory_space<hbm>>
    tpu.wait_indirect_dma semaphore(%arg13 : memref<!tpu.dma_semaphore, #tpu.memory_space<semaphore_mem>>) src(%dma_wait3A_386 : memref<100000x256xf32, #tpu.memory_space<hbm>>) dst(%dma_wait3A_380 : memref<64x256xf32, #tpu.memory_space<vmem>>)
    %add3A_387 = arith.constant 256 : i32
    %add3A_388 = arith.addi %mul3A_2, %add3A_387 : i32
    %dma_start3A_389 = arith.constant 0 : i32
    %dma_start3A_390 = arith.constant 0 : i32
    %dma_start3A_391 = tpu.memref_slice %arg10[%dma_start3A_389, %dma_start3A_390] : memref<64x512xf32, #tpu.memory_space<vmem>> -> memref<64x256xf32, #tpu.memory_space<vmem>>
    %dma_start3A_392 = arith.constant 0 : i32
    %dma_start3A_393 = tpu.memref_slice %arg6[%add3A_388, %dma_start3A_392] : memref<16384x512xf32, #tpu.memory_space<hbm>> -> memref<64x256xf32, #tpu.memory_space<hbm>>
    %dma_start3A_394 = arith.constant 0 : i32
    %dma_start3A_395 = tpu.memref_slice %arg6[%add3A_388, %dma_start3A_394] : memref<16384x512xf32, #tpu.memory_space<hbm>> -> memref<64x256xf32, #tpu.memory_space<hbm>>
    %dma_start3A_396 = arith.constant 0 : i32
    %dma_start3A_397 = arith.constant 0 : i32
    %dma_start3A_398 = tpu.memref_slice %arg10[%dma_start3A_396, %dma_start3A_397] : memref<64x512xf32, #tpu.memory_space<vmem>> -> memref<64x256xf32, #tpu.memory_space<vmem>>
    tpu.enqueue_dma source(%dma_start3A_398 : memref<64x256xf32, #tpu.memory_space<vmem>>) target(%dma_start3A_395 : memref<64x256xf32, #tpu.memory_space<hbm>>) target_semaphore(%arg16 : memref<!tpu.dma_semaphore, #tpu.memory_space<semaphore_mem>>)
    %dma_wait3A_399 = arith.constant 4 : i32
    %dma_wait3A_400 = arith.constant 0 : i32
    %dma_wait3A_401 = arith.constant 256 : i32
    %dma_wait3A_402 = tpu.memref_slice %arg10[%dma_wait3A_400, %dma_wait3A_401] : memref<64x512xf32, #tpu.memory_space<vmem>> -> memref<64x256xf32, #tpu.memory_space<vmem>>
    %dma_wait3A_403 = arith.constant 0 : i32
    %dma_wait3A_404 = tpu.memref_slice %arg8[%dma_wait3A_399, %dma_wait3A_403] : memref<8x64xi32, #tpu.memory_space<vmem>> -> memref<1x64xi32, #tpu.memory_space<vmem>>
    %dma_wait3A_405 = tpu.memref_squeeze %dma_wait3A_404 : memref<1x64xi32, #tpu.memory_space<vmem>> -> memref<64xi32, #tpu.memory_space<vmem>>
    %dma_wait3A_406 = arith.constant 0 : i32
    %dma_wait3A_407 = arith.constant 0 : i32
    %dma_wait3A_408 = tpu.memref_slice %arg5[%dma_wait3A_406, %dma_wait3A_407] : memref<100000x256xf32, #tpu.memory_space<hbm>> -> memref<100000x256xf32, #tpu.memory_space<hbm>>
    tpu.wait_indirect_dma semaphore(%arg13 : memref<!tpu.dma_semaphore, #tpu.memory_space<semaphore_mem>>) src(%dma_wait3A_408 : memref<100000x256xf32, #tpu.memory_space<hbm>>) dst(%dma_wait3A_402 : memref<64x256xf32, #tpu.memory_space<vmem>>)
    %add3A_409 = arith.constant 256 : i32
    %add3A_410 = arith.addi %mul3A_2, %add3A_409 : i32
    %dma_start3A_411 = arith.constant 0 : i32
    %dma_start3A_412 = arith.constant 256 : i32
    %dma_start3A_413 = tpu.memref_slice %arg10[%dma_start3A_411, %dma_start3A_412] : memref<64x512xf32, #tpu.memory_space<vmem>> -> memref<64x256xf32, #tpu.memory_space<vmem>>
    %dma_start3A_414 = arith.constant 256 : i32
    %dma_start3A_415 = tpu.memref_slice %arg6[%add3A_410, %dma_start3A_414] : memref<16384x512xf32, #tpu.memory_space<hbm>> -> memref<64x256xf32, #tpu.memory_space<hbm>>
    %dma_start3A_416 = arith.constant 256 : i32
    %dma_start3A_417 = tpu.memref_slice %arg6[%add3A_410, %dma_start3A_416] : memref<16384x512xf32, #tpu.memory_space<hbm>> -> memref<64x256xf32, #tpu.memory_space<hbm>>
    %dma_start3A_418 = arith.constant 0 : i32
    %dma_start3A_419 = arith.constant 256 : i32
    %dma_start3A_420 = tpu.memref_slice %arg10[%dma_start3A_418, %dma_start3A_419] : memref<64x512xf32, #tpu.memory_space<vmem>> -> memref<64x256xf32, #tpu.memory_space<vmem>>
    tpu.enqueue_dma source(%dma_start3A_420 : memref<64x256xf32, #tpu.memory_space<vmem>>) target(%dma_start3A_417 : memref<64x256xf32, #tpu.memory_space<hbm>>) target_semaphore(%arg16 : memref<!tpu.dma_semaphore, #tpu.memory_space<semaphore_mem>>)
    %dma_wait3A_421 = arith.constant 0 : i32
    %dma_wait3A_422 = arith.constant 0 : i32
    %dma_wait3A_423 = tpu.memref_slice %arg9[%dma_wait3A_421, %dma_wait3A_422] : memref<64x512xf32, #tpu.memory_space<vmem>> -> memref<64x256xf32, #tpu.memory_space<vmem>>
    %dma_wait3A_424 = arith.constant 0 : i32
    %dma_wait3A_425 = tpu.memref_slice %arg6[%add3A_304, %dma_wait3A_424] : memref<16384x512xf32, #tpu.memory_space<hbm>> -> memref<64x256xf32, #tpu.memory_space<hbm>>
    %dma_wait3A_426 = arith.constant 0 : i32
    %dma_wait3A_427 = tpu.memref_slice %arg6[%add3A_304, %dma_wait3A_426] : memref<16384x512xf32, #tpu.memory_space<hbm>> -> memref<64x256xf32, #tpu.memory_space<hbm>>
    %dma_wait3A_428 = arith.constant 0 : i32
    %dma_wait3A_429 = arith.constant 0 : i32
    %dma_wait3A_430 = tpu.memref_slice %arg9[%dma_wait3A_428, %dma_wait3A_429] : memref<64x512xf32, #tpu.memory_space<vmem>> -> memref<64x256xf32, #tpu.memory_space<vmem>>
    tpu.wait_dma2 semaphore(%arg15 : memref<!tpu.dma_semaphore, #tpu.memory_space<semaphore_mem>>) src(%dma_wait3A_430 : memref<64x256xf32, #tpu.memory_space<vmem>>) dst(%dma_wait3A_427 : memref<64x256xf32, #tpu.memory_space<hbm>>)
    %dma_wait3A_431 = arith.constant 0 : i32
    %dma_wait3A_432 = arith.constant 256 : i32
    %dma_wait3A_433 = tpu.memref_slice %arg9[%dma_wait3A_431, %dma_wait3A_432] : memref<64x512xf32, #tpu.memory_space<vmem>> -> memref<64x256xf32, #tpu.memory_space<vmem>>
    %dma_wait3A_434 = arith.constant 256 : i32
    %dma_wait3A_435 = tpu.memref_slice %arg6[%add3A_326, %dma_wait3A_434] : memref<16384x512xf32, #tpu.memory_space<hbm>> -> memref<64x256xf32, #tpu.memory_space<hbm>>
    %dma_wait3A_436 = arith.constant 256 : i32
    %dma_wait3A_437 = tpu.memref_slice %arg6[%add3A_326, %dma_wait3A_436] : memref<16384x512xf32, #tpu.memory_space<hbm>> -> memref<64x256xf32, #tpu.memory_space<hbm>>
    %dma_wait3A_438 = arith.constant 0 : i32
    %dma_wait3A_439 = arith.constant 256 : i32
    %dma_wait3A_440 = tpu.memref_slice %arg9[%dma_wait3A_438, %dma_wait3A_439] : memref<64x512xf32, #tpu.memory_space<vmem>> -> memref<64x256xf32, #tpu.memory_space<vmem>>
    tpu.wait_dma2 semaphore(%arg15 : memref<!tpu.dma_semaphore, #tpu.memory_space<semaphore_mem>>) src(%dma_wait3A_440 : memref<64x256xf32, #tpu.memory_space<vmem>>) dst(%dma_wait3A_437 : memref<64x256xf32, #tpu.memory_space<hbm>>)
    %dma_start3A_441 = arith.constant 6 : i32
    %dma_start3A_442 = arith.constant 0 : i32
    %dma_start3A_443 = arith.constant 0 : i32
    %dma_start3A_444 = tpu.memref_slice %arg9[%dma_start3A_442, %dma_start3A_443] : memref<64x512xf32, #tpu.memory_space<vmem>> -> memref<64x256xf32, #tpu.memory_space<vmem>>
    %dma_start3A_445 = arith.constant 0 : i32
    %dma_start3A_446 = tpu.memref_slice %arg7[%dma_start3A_441, %dma_start3A_445] : memref<8x64xi32, #tpu.memory_space<vmem>> -> memref<1x64xi32, #tpu.memory_space<vmem>>
    %dma_start3A_447 = tpu.memref_squeeze %dma_start3A_446 : memref<1x64xi32, #tpu.memory_space<vmem>> -> memref<64xi32, #tpu.memory_space<vmem>>
    %dma_start3A_448 = arith.constant 0 : i32
    %dma_start3A_449 = arith.constant 0 : i32
    %dma_start3A_450 = tpu.memref_slice %arg4[%dma_start3A_448, %dma_start3A_449] : memref<100000x256xf32, #tpu.memory_space<hbm>> -> memref<100000x256xf32, #tpu.memory_space<hbm>>
    tpu.enqueue_indirect_dma source(%dma_start3A_450 : memref<100000x256xf32, #tpu.memory_space<hbm>>) target(%dma_start3A_444 : memref<64x256xf32, #tpu.memory_space<vmem>>) offsets(%dma_start3A_447 : memref<64xi32, #tpu.memory_space<vmem>>) semaphore(%arg12 : memref<!tpu.dma_semaphore, #tpu.memory_space<semaphore_mem>>)
    %dma_start3A_451 = arith.constant 6 : i32
    %dma_start3A_452 = arith.constant 0 : i32
    %dma_start3A_453 = arith.constant 256 : i32
    %dma_start3A_454 = tpu.memref_slice %arg9[%dma_start3A_452, %dma_start3A_453] : memref<64x512xf32, #tpu.memory_space<vmem>> -> memref<64x256xf32, #tpu.memory_space<vmem>>
    %dma_start3A_455 = arith.constant 0 : i32
    %dma_start3A_456 = tpu.memref_slice %arg8[%dma_start3A_451, %dma_start3A_455] : memref<8x64xi32, #tpu.memory_space<vmem>> -> memref<1x64xi32, #tpu.memory_space<vmem>>
    %dma_start3A_457 = tpu.memref_squeeze %dma_start3A_456 : memref<1x64xi32, #tpu.memory_space<vmem>> -> memref<64xi32, #tpu.memory_space<vmem>>
    %dma_start3A_458 = arith.constant 0 : i32
    %dma_start3A_459 = arith.constant 0 : i32
    %dma_start3A_460 = tpu.memref_slice %arg5[%dma_start3A_458, %dma_start3A_459] : memref<100000x256xf32, #tpu.memory_space<hbm>> -> memref<100000x256xf32, #tpu.memory_space<hbm>>
    tpu.enqueue_indirect_dma source(%dma_start3A_460 : memref<100000x256xf32, #tpu.memory_space<hbm>>) target(%dma_start3A_454 : memref<64x256xf32, #tpu.memory_space<vmem>>) offsets(%dma_start3A_457 : memref<64xi32, #tpu.memory_space<vmem>>) semaphore(%arg12 : memref<!tpu.dma_semaphore, #tpu.memory_space<semaphore_mem>>)
    %dma_wait3A_461 = arith.constant 5 : i32
    %dma_wait3A_462 = arith.constant 0 : i32
    %dma_wait3A_463 = arith.constant 0 : i32
    %dma_wait3A_464 = tpu.memref_slice %arg11[%dma_wait3A_462, %dma_wait3A_463] : memref<64x512xf32, #tpu.memory_space<vmem>> -> memref<64x256xf32, #tpu.memory_space<vmem>>
    %dma_wait3A_465 = arith.constant 0 : i32
    %dma_wait3A_466 = tpu.memref_slice %arg7[%dma_wait3A_461, %dma_wait3A_465] : memref<8x64xi32, #tpu.memory_space<vmem>> -> memref<1x64xi32, #tpu.memory_space<vmem>>
    %dma_wait3A_467 = tpu.memref_squeeze %dma_wait3A_466 : memref<1x64xi32, #tpu.memory_space<vmem>> -> memref<64xi32, #tpu.memory_space<vmem>>
    %dma_wait3A_468 = arith.constant 0 : i32
    %dma_wait3A_469 = arith.constant 0 : i32
    %dma_wait3A_470 = tpu.memref_slice %arg4[%dma_wait3A_468, %dma_wait3A_469] : memref<100000x256xf32, #tpu.memory_space<hbm>> -> memref<100000x256xf32, #tpu.memory_space<hbm>>
    tpu.wait_indirect_dma semaphore(%arg14 : memref<!tpu.dma_semaphore, #tpu.memory_space<semaphore_mem>>) src(%dma_wait3A_470 : memref<100000x256xf32, #tpu.memory_space<hbm>>) dst(%dma_wait3A_464 : memref<64x256xf32, #tpu.memory_space<vmem>>)
    %add3A_471 = arith.constant 320 : i32
    %add3A_472 = arith.addi %mul3A_2, %add3A_471 : i32
    %dma_start3A_473 = arith.constant 0 : i32
    %dma_start3A_474 = arith.constant 0 : i32
    %dma_start3A_475 = tpu.memref_slice %arg11[%dma_start3A_473, %dma_start3A_474] : memref<64x512xf32, #tpu.memory_space<vmem>> -> memref<64x256xf32, #tpu.memory_space<vmem>>
    %dma_start3A_476 = arith.constant 0 : i32
    %dma_start3A_477 = tpu.memref_slice %arg6[%add3A_472, %dma_start3A_476] : memref<16384x512xf32, #tpu.memory_space<hbm>> -> memref<64x256xf32, #tpu.memory_space<hbm>>
    %dma_start3A_478 = arith.constant 0 : i32
    %dma_start3A_479 = tpu.memref_slice %arg6[%add3A_472, %dma_start3A_478] : memref<16384x512xf32, #tpu.memory_space<hbm>> -> memref<64x256xf32, #tpu.memory_space<hbm>>
    %dma_start3A_480 = arith.constant 0 : i32
    %dma_start3A_481 = arith.constant 0 : i32
    %dma_start3A_482 = tpu.memref_slice %arg11[%dma_start3A_480, %dma_start3A_481] : memref<64x512xf32, #tpu.memory_space<vmem>> -> memref<64x256xf32, #tpu.memory_space<vmem>>
    tpu.enqueue_dma source(%dma_start3A_482 : memref<64x256xf32, #tpu.memory_space<vmem>>) target(%dma_start3A_479 : memref<64x256xf32, #tpu.memory_space<hbm>>) target_semaphore(%arg17 : memref<!tpu.dma_semaphore, #tpu.memory_space<semaphore_mem>>)
    %dma_wait3A_483 = arith.constant 5 : i32
    %dma_wait3A_484 = arith.constant 0 : i32
    %dma_wait3A_485 = arith.constant 256 : i32
    %dma_wait3A_486 = tpu.memref_slice %arg11[%dma_wait3A_484, %dma_wait3A_485] : memref<64x512xf32, #tpu.memory_space<vmem>> -> memref<64x256xf32, #tpu.memory_space<vmem>>
    %dma_wait3A_487 = arith.constant 0 : i32
    %dma_wait3A_488 = tpu.memref_slice %arg8[%dma_wait3A_483, %dma_wait3A_487] : memref<8x64xi32, #tpu.memory_space<vmem>> -> memref<1x64xi32, #tpu.memory_space<vmem>>
    %dma_wait3A_489 = tpu.memref_squeeze %dma_wait3A_488 : memref<1x64xi32, #tpu.memory_space<vmem>> -> memref<64xi32, #tpu.memory_space<vmem>>
    %dma_wait3A_490 = arith.constant 0 : i32
    %dma_wait3A_491 = arith.constant 0 : i32
    %dma_wait3A_492 = tpu.memref_slice %arg5[%dma_wait3A_490, %dma_wait3A_491] : memref<100000x256xf32, #tpu.memory_space<hbm>> -> memref<100000x256xf32, #tpu.memory_space<hbm>>
    tpu.wait_indirect_dma semaphore(%arg14 : memref<!tpu.dma_semaphore, #tpu.memory_space<semaphore_mem>>) src(%dma_wait3A_492 : memref<100000x256xf32, #tpu.memory_space<hbm>>) dst(%dma_wait3A_486 : memref<64x256xf32, #tpu.memory_space<vmem>>)
    %add3A_493 = arith.constant 320 : i32
    %add3A_494 = arith.addi %mul3A_2, %add3A_493 : i32
    %dma_start3A_495 = arith.constant 0 : i32
    %dma_start3A_496 = arith.constant 256 : i32
    %dma_start3A_497 = tpu.memref_slice %arg11[%dma_start3A_495, %dma_start3A_496] : memref<64x512xf32, #tpu.memory_space<vmem>> -> memref<64x256xf32, #tpu.memory_space<vmem>>
    %dma_start3A_498 = arith.constant 256 : i32
    %dma_start3A_499 = tpu.memref_slice %arg6[%add3A_494, %dma_start3A_498] : memref<16384x512xf32, #tpu.memory_space<hbm>> -> memref<64x256xf32, #tpu.memory_space<hbm>>
    %dma_start3A_500 = arith.constant 256 : i32
    %dma_start3A_501 = tpu.memref_slice %arg6[%add3A_494, %dma_start3A_500] : memref<16384x512xf32, #tpu.memory_space<hbm>> -> memref<64x256xf32, #tpu.memory_space<hbm>>
    %dma_start3A_502 = arith.constant 0 : i32
    %dma_start3A_503 = arith.constant 256 : i32
    %dma_start3A_504 = tpu.memref_slice %arg11[%dma_start3A_502, %dma_start3A_503] : memref<64x512xf32, #tpu.memory_space<vmem>> -> memref<64x256xf32, #tpu.memory_space<vmem>>
    tpu.enqueue_dma source(%dma_start3A_504 : memref<64x256xf32, #tpu.memory_space<vmem>>) target(%dma_start3A_501 : memref<64x256xf32, #tpu.memory_space<hbm>>) target_semaphore(%arg17 : memref<!tpu.dma_semaphore, #tpu.memory_space<semaphore_mem>>)
    %dma_wait3A_505 = arith.constant 0 : i32
    %dma_wait3A_506 = arith.constant 0 : i32
    %dma_wait3A_507 = tpu.memref_slice %arg10[%dma_wait3A_505, %dma_wait3A_506] : memref<64x512xf32, #tpu.memory_space<vmem>> -> memref<64x256xf32, #tpu.memory_space<vmem>>
    %dma_wait3A_508 = arith.constant 0 : i32
    %dma_wait3A_509 = tpu.memref_slice %arg6[%add3A_388, %dma_wait3A_508] : memref<16384x512xf32, #tpu.memory_space<hbm>> -> memref<64x256xf32, #tpu.memory_space<hbm>>
    %dma_wait3A_510 = arith.constant 0 : i32
    %dma_wait3A_511 = tpu.memref_slice %arg6[%add3A_388, %dma_wait3A_510] : memref<16384x512xf32, #tpu.memory_space<hbm>> -> memref<64x256xf32, #tpu.memory_space<hbm>>
    %dma_wait3A_512 = arith.constant 0 : i32
    %dma_wait3A_513 = arith.constant 0 : i32
    %dma_wait3A_514 = tpu.memref_slice %arg10[%dma_wait3A_512, %dma_wait3A_513] : memref<64x512xf32, #tpu.memory_space<vmem>> -> memref<64x256xf32, #tpu.memory_space<vmem>>
    tpu.wait_dma2 semaphore(%arg16 : memref<!tpu.dma_semaphore, #tpu.memory_space<semaphore_mem>>) src(%dma_wait3A_514 : memref<64x256xf32, #tpu.memory_space<vmem>>) dst(%dma_wait3A_511 : memref<64x256xf32, #tpu.memory_space<hbm>>)
    %dma_wait3A_515 = arith.constant 0 : i32
    %dma_wait3A_516 = arith.constant 256 : i32
    %dma_wait3A_517 = tpu.memref_slice %arg10[%dma_wait3A_515, %dma_wait3A_516] : memref<64x512xf32, #tpu.memory_space<vmem>> -> memref<64x256xf32, #tpu.memory_space<vmem>>
    %dma_wait3A_518 = arith.constant 256 : i32
    %dma_wait3A_519 = tpu.memref_slice %arg6[%add3A_410, %dma_wait3A_518] : memref<16384x512xf32, #tpu.memory_space<hbm>> -> memref<64x256xf32, #tpu.memory_space<hbm>>
    %dma_wait3A_520 = arith.constant 256 : i32
    %dma_wait3A_521 = tpu.memref_slice %arg6[%add3A_410, %dma_wait3A_520] : memref<16384x512xf32, #tpu.memory_space<hbm>> -> memref<64x256xf32, #tpu.memory_space<hbm>>
    %dma_wait3A_522 = arith.constant 0 : i32
    %dma_wait3A_523 = arith.constant 256 : i32
    %dma_wait3A_524 = tpu.memref_slice %arg10[%dma_wait3A_522, %dma_wait3A_523] : memref<64x512xf32, #tpu.memory_space<vmem>> -> memref<64x256xf32, #tpu.memory_space<vmem>>
    tpu.wait_dma2 semaphore(%arg16 : memref<!tpu.dma_semaphore, #tpu.memory_space<semaphore_mem>>) src(%dma_wait3A_524 : memref<64x256xf32, #tpu.memory_space<vmem>>) dst(%dma_wait3A_521 : memref<64x256xf32, #tpu.memory_space<hbm>>)
    %dma_start3A_525 = arith.constant 7 : i32
    %dma_start3A_526 = arith.constant 0 : i32
    %dma_start3A_527 = arith.constant 0 : i32
    %dma_start3A_528 = tpu.memref_slice %arg10[%dma_start3A_526, %dma_start3A_527] : memref<64x512xf32, #tpu.memory_space<vmem>> -> memref<64x256xf32, #tpu.memory_space<vmem>>
    %dma_start3A_529 = arith.constant 0 : i32
    %dma_start3A_530 = tpu.memref_slice %arg7[%dma_start3A_525, %dma_start3A_529] : memref<8x64xi32, #tpu.memory_space<vmem>> -> memref<1x64xi32, #tpu.memory_space<vmem>>
    %dma_start3A_531 = tpu.memref_squeeze %dma_start3A_530 : memref<1x64xi32, #tpu.memory_space<vmem>> -> memref<64xi32, #tpu.memory_space<vmem>>
    %dma_start3A_532 = arith.constant 0 : i32
    %dma_start3A_533 = arith.constant 0 : i32
    %dma_start3A_534 = tpu.memref_slice %arg4[%dma_start3A_532, %dma_start3A_533] : memref<100000x256xf32, #tpu.memory_space<hbm>> -> memref<100000x256xf32, #tpu.memory_space<hbm>>
    tpu.enqueue_indirect_dma source(%dma_start3A_534 : memref<100000x256xf32, #tpu.memory_space<hbm>>) target(%dma_start3A_528 : memref<64x256xf32, #tpu.memory_space<vmem>>) offsets(%dma_start3A_531 : memref<64xi32, #tpu.memory_space<vmem>>) semaphore(%arg13 : memref<!tpu.dma_semaphore, #tpu.memory_space<semaphore_mem>>)
    %dma_start3A_535 = arith.constant 7 : i32
    %dma_start3A_536 = arith.constant 0 : i32
    %dma_start3A_537 = arith.constant 256 : i32
    %dma_start3A_538 = tpu.memref_slice %arg10[%dma_start3A_536, %dma_start3A_537] : memref<64x512xf32, #tpu.memory_space<vmem>> -> memref<64x256xf32, #tpu.memory_space<vmem>>
    %dma_start3A_539 = arith.constant 0 : i32
    %dma_start3A_540 = tpu.memref_slice %arg8[%dma_start3A_535, %dma_start3A_539] : memref<8x64xi32, #tpu.memory_space<vmem>> -> memref<1x64xi32, #tpu.memory_space<vmem>>
    %dma_start3A_541 = tpu.memref_squeeze %dma_start3A_540 : memref<1x64xi32, #tpu.memory_space<vmem>> -> memref<64xi32, #tpu.memory_space<vmem>>
    %dma_start3A_542 = arith.constant 0 : i32
    %dma_start3A_543 = arith.constant 0 : i32
    %dma_start3A_544 = tpu.memref_slice %arg5[%dma_start3A_542, %dma_start3A_543] : memref<100000x256xf32, #tpu.memory_space<hbm>> -> memref<100000x256xf32, #tpu.memory_space<hbm>>
    tpu.enqueue_indirect_dma source(%dma_start3A_544 : memref<100000x256xf32, #tpu.memory_space<hbm>>) target(%dma_start3A_538 : memref<64x256xf32, #tpu.memory_space<vmem>>) offsets(%dma_start3A_541 : memref<64xi32, #tpu.memory_space<vmem>>) semaphore(%arg13 : memref<!tpu.dma_semaphore, #tpu.memory_space<semaphore_mem>>)
    %dma_wait3A_545 = arith.constant 6 : i32
    %dma_wait3A_546 = arith.constant 0 : i32
    %dma_wait3A_547 = arith.constant 0 : i32
    %dma_wait3A_548 = tpu.memref_slice %arg9[%dma_wait3A_546, %dma_wait3A_547] : memref<64x512xf32, #tpu.memory_space<vmem>> -> memref<64x256xf32, #tpu.memory_space<vmem>>
    %dma_wait3A_549 = arith.constant 0 : i32
    %dma_wait3A_550 = tpu.memref_slice %arg7[%dma_wait3A_545, %dma_wait3A_549] : memref<8x64xi32, #tpu.memory_space<vmem>> -> memref<1x64xi32, #tpu.memory_space<vmem>>
    %dma_wait3A_551 = tpu.memref_squeeze %dma_wait3A_550 : memref<1x64xi32, #tpu.memory_space<vmem>> -> memref<64xi32, #tpu.memory_space<vmem>>
    %dma_wait3A_552 = arith.constant 0 : i32
    %dma_wait3A_553 = arith.constant 0 : i32
    %dma_wait3A_554 = tpu.memref_slice %arg4[%dma_wait3A_552, %dma_wait3A_553] : memref<100000x256xf32, #tpu.memory_space<hbm>> -> memref<100000x256xf32, #tpu.memory_space<hbm>>
    tpu.wait_indirect_dma semaphore(%arg12 : memref<!tpu.dma_semaphore, #tpu.memory_space<semaphore_mem>>) src(%dma_wait3A_554 : memref<100000x256xf32, #tpu.memory_space<hbm>>) dst(%dma_wait3A_548 : memref<64x256xf32, #tpu.memory_space<vmem>>)
    %add3A_555 = arith.constant 384 : i32
    %add3A_556 = arith.addi %mul3A_2, %add3A_555 : i32
    %dma_start3A_557 = arith.constant 0 : i32
    %dma_start3A_558 = arith.constant 0 : i32
    %dma_start3A_559 = tpu.memref_slice %arg9[%dma_start3A_557, %dma_start3A_558] : memref<64x512xf32, #tpu.memory_space<vmem>> -> memref<64x256xf32, #tpu.memory_space<vmem>>
    %dma_start3A_560 = arith.constant 0 : i32
    %dma_start3A_561 = tpu.memref_slice %arg6[%add3A_556, %dma_start3A_560] : memref<16384x512xf32, #tpu.memory_space<hbm>> -> memref<64x256xf32, #tpu.memory_space<hbm>>
    %dma_start3A_562 = arith.constant 0 : i32
    %dma_start3A_563 = tpu.memref_slice %arg6[%add3A_556, %dma_start3A_562] : memref<16384x512xf32, #tpu.memory_space<hbm>> -> memref<64x256xf32, #tpu.memory_space<hbm>>
    %dma_start3A_564 = arith.constant 0 : i32
    %dma_start3A_565 = arith.constant 0 : i32
    %dma_start3A_566 = tpu.memref_slice %arg9[%dma_start3A_564, %dma_start3A_565] : memref<64x512xf32, #tpu.memory_space<vmem>> -> memref<64x256xf32, #tpu.memory_space<vmem>>
    tpu.enqueue_dma source(%dma_start3A_566 : memref<64x256xf32, #tpu.memory_space<vmem>>) target(%dma_start3A_563 : memref<64x256xf32, #tpu.memory_space<hbm>>) target_semaphore(%arg15 : memref<!tpu.dma_semaphore, #tpu.memory_space<semaphore_mem>>)
    %dma_wait3A_567 = arith.constant 6 : i32
    %dma_wait3A_568 = arith.constant 0 : i32
    %dma_wait3A_569 = arith.constant 256 : i32
    %dma_wait3A_570 = tpu.memref_slice %arg9[%dma_wait3A_568, %dma_wait3A_569] : memref<64x512xf32, #tpu.memory_space<vmem>> -> memref<64x256xf32, #tpu.memory_space<vmem>>
    %dma_wait3A_571 = arith.constant 0 : i32
    %dma_wait3A_572 = tpu.memref_slice %arg8[%dma_wait3A_567, %dma_wait3A_571] : memref<8x64xi32, #tpu.memory_space<vmem>> -> memref<1x64xi32, #tpu.memory_space<vmem>>
    %dma_wait3A_573 = tpu.memref_squeeze %dma_wait3A_572 : memref<1x64xi32, #tpu.memory_space<vmem>> -> memref<64xi32, #tpu.memory_space<vmem>>
    %dma_wait3A_574 = arith.constant 0 : i32
    %dma_wait3A_575 = arith.constant 0 : i32
    %dma_wait3A_576 = tpu.memref_slice %arg5[%dma_wait3A_574, %dma_wait3A_575] : memref<100000x256xf32, #tpu.memory_space<hbm>> -> memref<100000x256xf32, #tpu.memory_space<hbm>>
    tpu.wait_indirect_dma semaphore(%arg12 : memref<!tpu.dma_semaphore, #tpu.memory_space<semaphore_mem>>) src(%dma_wait3A_576 : memref<100000x256xf32, #tpu.memory_space<hbm>>) dst(%dma_wait3A_570 : memref<64x256xf32, #tpu.memory_space<vmem>>)
    %add3A_577 = arith.constant 384 : i32
    %add3A_578 = arith.addi %mul3A_2, %add3A_577 : i32
    %dma_start3A_579 = arith.constant 0 : i32
    %dma_start3A_580 = arith.constant 256 : i32
    %dma_start3A_581 = tpu.memref_slice %arg9[%dma_start3A_579, %dma_start3A_580] : memref<64x512xf32, #tpu.memory_space<vmem>> -> memref<64x256xf32, #tpu.memory_space<vmem>>
    %dma_start3A_582 = arith.constant 256 : i32
    %dma_start3A_583 = tpu.memref_slice %arg6[%add3A_578, %dma_start3A_582] : memref<16384x512xf32, #tpu.memory_space<hbm>> -> memref<64x256xf32, #tpu.memory_space<hbm>>
    %dma_start3A_584 = arith.constant 256 : i32
    %dma_start3A_585 = tpu.memref_slice %arg6[%add3A_578, %dma_start3A_584] : memref<16384x512xf32, #tpu.memory_space<hbm>> -> memref<64x256xf32, #tpu.memory_space<hbm>>
    %dma_start3A_586 = arith.constant 0 : i32
    %dma_start3A_587 = arith.constant 256 : i32
    %dma_start3A_588 = tpu.memref_slice %arg9[%dma_start3A_586, %dma_start3A_587] : memref<64x512xf32, #tpu.memory_space<vmem>> -> memref<64x256xf32, #tpu.memory_space<vmem>>
    tpu.enqueue_dma source(%dma_start3A_588 : memref<64x256xf32, #tpu.memory_space<vmem>>) target(%dma_start3A_585 : memref<64x256xf32, #tpu.memory_space<hbm>>) target_semaphore(%arg15 : memref<!tpu.dma_semaphore, #tpu.memory_space<semaphore_mem>>)
    %dma_wait3A_589 = arith.constant 7 : i32
    %dma_wait3A_590 = arith.constant 0 : i32
    %dma_wait3A_591 = arith.constant 0 : i32
    %dma_wait3A_592 = tpu.memref_slice %arg10[%dma_wait3A_590, %dma_wait3A_591] : memref<64x512xf32, #tpu.memory_space<vmem>> -> memref<64x256xf32, #tpu.memory_space<vmem>>
    %dma_wait3A_593 = arith.constant 0 : i32
    %dma_wait3A_594 = tpu.memref_slice %arg7[%dma_wait3A_589, %dma_wait3A_593] : memref<8x64xi32, #tpu.memory_space<vmem>> -> memref<1x64xi32, #tpu.memory_space<vmem>>
    %dma_wait3A_595 = tpu.memref_squeeze %dma_wait3A_594 : memref<1x64xi32, #tpu.memory_space<vmem>> -> memref<64xi32, #tpu.memory_space<vmem>>
    %dma_wait3A_596 = arith.constant 0 : i32
    %dma_wait3A_597 = arith.constant 0 : i32
    %dma_wait3A_598 = tpu.memref_slice %arg4[%dma_wait3A_596, %dma_wait3A_597] : memref<100000x256xf32, #tpu.memory_space<hbm>> -> memref<100000x256xf32, #tpu.memory_space<hbm>>
    tpu.wait_indirect_dma semaphore(%arg13 : memref<!tpu.dma_semaphore, #tpu.memory_space<semaphore_mem>>) src(%dma_wait3A_598 : memref<100000x256xf32, #tpu.memory_space<hbm>>) dst(%dma_wait3A_592 : memref<64x256xf32, #tpu.memory_space<vmem>>)
    %add3A_599 = arith.constant 448 : i32
    %add3A_600 = arith.addi %mul3A_2, %add3A_599 : i32
    %dma_start3A_601 = arith.constant 0 : i32
    %dma_start3A_602 = arith.constant 0 : i32
    %dma_start3A_603 = tpu.memref_slice %arg10[%dma_start3A_601, %dma_start3A_602] : memref<64x512xf32, #tpu.memory_space<vmem>> -> memref<64x256xf32, #tpu.memory_space<vmem>>
    %dma_start3A_604 = arith.constant 0 : i32
    %dma_start3A_605 = tpu.memref_slice %arg6[%add3A_600, %dma_start3A_604] : memref<16384x512xf32, #tpu.memory_space<hbm>> -> memref<64x256xf32, #tpu.memory_space<hbm>>
    %dma_start3A_606 = arith.constant 0 : i32
    %dma_start3A_607 = tpu.memref_slice %arg6[%add3A_600, %dma_start3A_606] : memref<16384x512xf32, #tpu.memory_space<hbm>> -> memref<64x256xf32, #tpu.memory_space<hbm>>
    %dma_start3A_608 = arith.constant 0 : i32
    %dma_start3A_609 = arith.constant 0 : i32
    %dma_start3A_610 = tpu.memref_slice %arg10[%dma_start3A_608, %dma_start3A_609] : memref<64x512xf32, #tpu.memory_space<vmem>> -> memref<64x256xf32, #tpu.memory_space<vmem>>
    tpu.enqueue_dma source(%dma_start3A_610 : memref<64x256xf32, #tpu.memory_space<vmem>>) target(%dma_start3A_607 : memref<64x256xf32, #tpu.memory_space<hbm>>) target_semaphore(%arg16 : memref<!tpu.dma_semaphore, #tpu.memory_space<semaphore_mem>>)
    %dma_wait3A_611 = arith.constant 7 : i32
    %dma_wait3A_612 = arith.constant 0 : i32
    %dma_wait3A_613 = arith.constant 256 : i32
    %dma_wait3A_614 = tpu.memref_slice %arg10[%dma_wait3A_612, %dma_wait3A_613] : memref<64x512xf32, #tpu.memory_space<vmem>> -> memref<64x256xf32, #tpu.memory_space<vmem>>
    %dma_wait3A_615 = arith.constant 0 : i32
    %dma_wait3A_616 = tpu.memref_slice %arg8[%dma_wait3A_611, %dma_wait3A_615] : memref<8x64xi32, #tpu.memory_space<vmem>> -> memref<1x64xi32, #tpu.memory_space<vmem>>
    %dma_wait3A_617 = tpu.memref_squeeze %dma_wait3A_616 : memref<1x64xi32, #tpu.memory_space<vmem>> -> memref<64xi32, #tpu.memory_space<vmem>>
    %dma_wait3A_618 = arith.constant 0 : i32
    %dma_wait3A_619 = arith.constant 0 : i32
    %dma_wait3A_620 = tpu.memref_slice %arg5[%dma_wait3A_618, %dma_wait3A_619] : memref<100000x256xf32, #tpu.memory_space<hbm>> -> memref<100000x256xf32, #tpu.memory_space<hbm>>
    tpu.wait_indirect_dma semaphore(%arg13 : memref<!tpu.dma_semaphore, #tpu.memory_space<semaphore_mem>>) src(%dma_wait3A_620 : memref<100000x256xf32, #tpu.memory_space<hbm>>) dst(%dma_wait3A_614 : memref<64x256xf32, #tpu.memory_space<vmem>>)
    %add3A_621 = arith.constant 448 : i32
    %add3A_622 = arith.addi %mul3A_2, %add3A_621 : i32
    %dma_start3A_623 = arith.constant 0 : i32
    %dma_start3A_624 = arith.constant 256 : i32
    %dma_start3A_625 = tpu.memref_slice %arg10[%dma_start3A_623, %dma_start3A_624] : memref<64x512xf32, #tpu.memory_space<vmem>> -> memref<64x256xf32, #tpu.memory_space<vmem>>
    %dma_start3A_626 = arith.constant 256 : i32
    %dma_start3A_627 = tpu.memref_slice %arg6[%add3A_622, %dma_start3A_626] : memref<16384x512xf32, #tpu.memory_space<hbm>> -> memref<64x256xf32, #tpu.memory_space<hbm>>
    %dma_start3A_628 = arith.constant 256 : i32
    %dma_start3A_629 = tpu.memref_slice %arg6[%add3A_622, %dma_start3A_628] : memref<16384x512xf32, #tpu.memory_space<hbm>> -> memref<64x256xf32, #tpu.memory_space<hbm>>
    %dma_start3A_630 = arith.constant 0 : i32
    %dma_start3A_631 = arith.constant 256 : i32
    %dma_start3A_632 = tpu.memref_slice %arg10[%dma_start3A_630, %dma_start3A_631] : memref<64x512xf32, #tpu.memory_space<vmem>> -> memref<64x256xf32, #tpu.memory_space<vmem>>
    tpu.enqueue_dma source(%dma_start3A_632 : memref<64x256xf32, #tpu.memory_space<vmem>>) target(%dma_start3A_629 : memref<64x256xf32, #tpu.memory_space<hbm>>) target_semaphore(%arg16 : memref<!tpu.dma_semaphore, #tpu.memory_space<semaphore_mem>>)
    %dma_wait3A_633 = arith.constant 0 : i32
    %dma_wait3A_634 = arith.constant 0 : i32
    %dma_wait3A_635 = tpu.memref_slice %arg11[%dma_wait3A_633, %dma_wait3A_634] : memref<64x512xf32, #tpu.memory_space<vmem>> -> memref<64x256xf32, #tpu.memory_space<vmem>>
    %dma_wait3A_636 = arith.constant 0 : i32
    %dma_wait3A_637 = tpu.memref_slice %arg6[%add3A_472, %dma_wait3A_636] : memref<16384x512xf32, #tpu.memory_space<hbm>> -> memref<64x256xf32, #tpu.memory_space<hbm>>
    %dma_wait3A_638 = arith.constant 0 : i32
    %dma_wait3A_639 = tpu.memref_slice %arg6[%add3A_472, %dma_wait3A_638] : memref<16384x512xf32, #tpu.memory_space<hbm>> -> memref<64x256xf32, #tpu.memory_space<hbm>>
    %dma_wait3A_640 = arith.constant 0 : i32
    %dma_wait3A_641 = arith.constant 0 : i32
    %dma_wait3A_642 = tpu.memref_slice %arg11[%dma_wait3A_640, %dma_wait3A_641] : memref<64x512xf32, #tpu.memory_space<vmem>> -> memref<64x256xf32, #tpu.memory_space<vmem>>
    tpu.wait_dma2 semaphore(%arg17 : memref<!tpu.dma_semaphore, #tpu.memory_space<semaphore_mem>>) src(%dma_wait3A_642 : memref<64x256xf32, #tpu.memory_space<vmem>>) dst(%dma_wait3A_639 : memref<64x256xf32, #tpu.memory_space<hbm>>)
    %dma_wait3A_643 = arith.constant 0 : i32
    %dma_wait3A_644 = arith.constant 256 : i32
    %dma_wait3A_645 = tpu.memref_slice %arg11[%dma_wait3A_643, %dma_wait3A_644] : memref<64x512xf32, #tpu.memory_space<vmem>> -> memref<64x256xf32, #tpu.memory_space<vmem>>
    %dma_wait3A_646 = arith.constant 256 : i32
    %dma_wait3A_647 = tpu.memref_slice %arg6[%add3A_494, %dma_wait3A_646] : memref<16384x512xf32, #tpu.memory_space<hbm>> -> memref<64x256xf32, #tpu.memory_space<hbm>>
    %dma_wait3A_648 = arith.constant 256 : i32
    %dma_wait3A_649 = tpu.memref_slice %arg6[%add3A_494, %dma_wait3A_648] : memref<16384x512xf32, #tpu.memory_space<hbm>> -> memref<64x256xf32, #tpu.memory_space<hbm>>
    %dma_wait3A_650 = arith.constant 0 : i32
    %dma_wait3A_651 = arith.constant 256 : i32
    %dma_wait3A_652 = tpu.memref_slice %arg11[%dma_wait3A_650, %dma_wait3A_651] : memref<64x512xf32, #tpu.memory_space<vmem>> -> memref<64x256xf32, #tpu.memory_space<vmem>>
    tpu.wait_dma2 semaphore(%arg17 : memref<!tpu.dma_semaphore, #tpu.memory_space<semaphore_mem>>) src(%dma_wait3A_652 : memref<64x256xf32, #tpu.memory_space<vmem>>) dst(%dma_wait3A_649 : memref<64x256xf32, #tpu.memory_space<hbm>>)
    %dma_wait3A_653 = arith.constant 0 : i32
    %dma_wait3A_654 = arith.constant 0 : i32
    %dma_wait3A_655 = tpu.memref_slice %arg9[%dma_wait3A_653, %dma_wait3A_654] : memref<64x512xf32, #tpu.memory_space<vmem>> -> memref<64x256xf32, #tpu.memory_space<vmem>>
    %dma_wait3A_656 = arith.constant 0 : i32
    %dma_wait3A_657 = tpu.memref_slice %arg6[%add3A_556, %dma_wait3A_656] : memref<16384x512xf32, #tpu.memory_space<hbm>> -> memref<64x256xf32, #tpu.memory_space<hbm>>
    %dma_wait3A_658 = arith.constant 0 : i32
    %dma_wait3A_659 = tpu.memref_slice %arg6[%add3A_556, %dma_wait3A_658] : memref<16384x512xf32, #tpu.memory_space<hbm>> -> memref<64x256xf32, #tpu.memory_space<hbm>>
    %dma_wait3A_660 = arith.constant 0 : i32
    %dma_wait3A_661 = arith.constant 0 : i32
    %dma_wait3A_662 = tpu.memref_slice %arg9[%dma_wait3A_660, %dma_wait3A_661] : memref<64x512xf32, #tpu.memory_space<vmem>> -> memref<64x256xf32, #tpu.memory_space<vmem>>
    tpu.wait_dma2 semaphore(%arg15 : memref<!tpu.dma_semaphore, #tpu.memory_space<semaphore_mem>>) src(%dma_wait3A_662 : memref<64x256xf32, #tpu.memory_space<vmem>>) dst(%dma_wait3A_659 : memref<64x256xf32, #tpu.memory_space<hbm>>)
    %dma_wait3A_663 = arith.constant 0 : i32
    %dma_wait3A_664 = arith.constant 256 : i32
    %dma_wait3A_665 = tpu.memref_slice %arg9[%dma_wait3A_663, %dma_wait3A_664] : memref<64x512xf32, #tpu.memory_space<vmem>> -> memref<64x256xf32, #tpu.memory_space<vmem>>
    %dma_wait3A_666 = arith.constant 256 : i32
    %dma_wait3A_667 = tpu.memref_slice %arg6[%add3A_578, %dma_wait3A_666] : memref<16384x512xf32, #tpu.memory_space<hbm>> -> memref<64x256xf32, #tpu.memory_space<hbm>>
    %dma_wait3A_668 = arith.constant 256 : i32
    %dma_wait3A_669 = tpu.memref_slice %arg6[%add3A_578, %dma_wait3A_668] : memref<16384x512xf32, #tpu.memory_space<hbm>> -> memref<64x256xf32, #tpu.memory_space<hbm>>
    %dma_wait3A_670 = arith.constant 0 : i32
    %dma_wait3A_671 = arith.constant 256 : i32
    %dma_wait3A_672 = tpu.memref_slice %arg9[%dma_wait3A_670, %dma_wait3A_671] : memref<64x512xf32, #tpu.memory_space<vmem>> -> memref<64x256xf32, #tpu.memory_space<vmem>>
    tpu.wait_dma2 semaphore(%arg15 : memref<!tpu.dma_semaphore, #tpu.memory_space<semaphore_mem>>) src(%dma_wait3A_672 : memref<64x256xf32, #tpu.memory_space<vmem>>) dst(%dma_wait3A_669 : memref<64x256xf32, #tpu.memory_space<hbm>>)
    %dma_wait3A_673 = arith.constant 0 : i32
    %dma_wait3A_674 = arith.constant 0 : i32
    %dma_wait3A_675 = tpu.memref_slice %arg10[%dma_wait3A_673, %dma_wait3A_674] : memref<64x512xf32, #tpu.memory_space<vmem>> -> memref<64x256xf32, #tpu.memory_space<vmem>>
    %dma_wait3A_676 = arith.constant 0 : i32
    %dma_wait3A_677 = tpu.memref_slice %arg6[%add3A_600, %dma_wait3A_676] : memref<16384x512xf32, #tpu.memory_space<hbm>> -> memref<64x256xf32, #tpu.memory_space<hbm>>
    %dma_wait3A_678 = arith.constant 0 : i32
    %dma_wait3A_679 = tpu.memref_slice %arg6[%add3A_600, %dma_wait3A_678] : memref<16384x512xf32, #tpu.memory_space<hbm>> -> memref<64x256xf32, #tpu.memory_space<hbm>>
    %dma_wait3A_680 = arith.constant 0 : i32
    %dma_wait3A_681 = arith.constant 0 : i32
    %dma_wait3A_682 = tpu.memref_slice %arg10[%dma_wait3A_680, %dma_wait3A_681] : memref<64x512xf32, #tpu.memory_space<vmem>> -> memref<64x256xf32, #tpu.memory_space<vmem>>
    tpu.wait_dma2 semaphore(%arg16 : memref<!tpu.dma_semaphore, #tpu.memory_space<semaphore_mem>>) src(%dma_wait3A_682 : memref<64x256xf32, #tpu.memory_space<vmem>>) dst(%dma_wait3A_679 : memref<64x256xf32, #tpu.memory_space<hbm>>)
    %dma_wait3A_683 = arith.constant 0 : i32
    %dma_wait3A_684 = arith.constant 256 : i32
    %dma_wait3A_685 = tpu.memref_slice %arg10[%dma_wait3A_683, %dma_wait3A_684] : memref<64x512xf32, #tpu.memory_space<vmem>> -> memref<64x256xf32, #tpu.memory_space<vmem>>
    %dma_wait3A_686 = arith.constant 256 : i32
    %dma_wait3A_687 = tpu.memref_slice %arg6[%add3A_622, %dma_wait3A_686] : memref<16384x512xf32, #tpu.memory_space<hbm>> -> memref<64x256xf32, #tpu.memory_space<hbm>>
    %dma_wait3A_688 = arith.constant 256 : i32
    %dma_wait3A_689 = tpu.memref_slice %arg6[%add3A_622, %dma_wait3A_688] : memref<16384x512xf32, #tpu.memory_space<hbm>> -> memref<64x256xf32, #tpu.memory_space<hbm>>
    %dma_wait3A_690 = arith.constant 0 : i32
    %dma_wait3A_691 = arith.constant 256 : i32
    %dma_wait3A_692 = tpu.memref_slice %arg10[%dma_wait3A_690, %dma_wait3A_691] : memref<64x512xf32, #tpu.memory_space<vmem>> -> memref<64x256xf32, #tpu.memory_space<vmem>>
    tpu.wait_dma2 semaphore(%arg16 : memref<!tpu.dma_semaphore, #tpu.memory_space<semaphore_mem>>) src(%dma_wait3A_692 : memref<64x256xf32, #tpu.memory_space<vmem>>) dst(%dma_wait3A_689 : memref<64x256xf32, #tpu.memory_space<hbm>>)
    return
  }
}

</mosaic_0001>

<sc_bundles>
// kernel: kernel.3.cloned.1.call-start
scs
__scs_entry_jumppad:
0x0: {  	(pc) =	sbr.rel $0x88, $3  }
0x1: {  	(tag) =	ssettag $0x0;
	lr =	simm.s32 $0x1  }
0x2: {  	[smem:$0x3F9E] =	sst lr;
	_ =	strace $0xD0000000  }
0x3: {  	_ = 	snop  }
0x4: {  	_ = 	snop  }
0x5: {  	_ = 	snop  }
0x6: {  	_ = 	snop  }
0x7: {  	_ = 	snop  }
__scs_overlays_trampoline_lowered:
0x8: {  	[smem:$0x3FAD] =	sst s0  }
0x9: {  	[smem:$0x3FAE] =	sst s1  }
0xa: {  	[smem:$0x3FAF] =	sst s2  }
0xb: {  	[smem:$0x3FB0] =	sst s3  }
0xc: {  	[smem:$0x3FB1] =	sst s4  }
0xd: {  	[smem:$0x3FB2] =	sst s5  }
0xe: {  	[smem:$0x3FB3] =	sst s6  }
0xf: {  	[smem:$0x3FB4] =	sst s7  }
0x10: {  	[smem:$0x3FB5] =	sst s8  }
0x11: {  	[smem:$0x3FB6] =	sst s9;
	s0 =	simm.s32 @!p0 $0x0  }
0x12: {  	s1 =	sld [smem:$0x3F9C];
	s0 =	simm.s32 @p0 $0x1  }
0x13: {  	[smem:$0x3FB7] =	sst s0;
	s0 =	simm.s32 @!p1 $0x0  }
0x14: {  	s2 =	sld [smem:$0x3F9B];
	s0 =	simm.s32 @p1 $0x1  }
0x15: {  	[smem:$0x3FB8] =	sst s0;
	s0 =	simm.s32 @!p2 $0x0  }
0x16: {  	s3 =	sld [smem:$0x3FDB];
	s0 =	simm.s32 @p2 $0x1  }
0x17: {  	s4 =	simm.s32 $0x1BF5;
	[smem:$0x3FBA] =	sst s0  }
0x18: {  	s0 =	sld [smem:$0x3F9D];
	_ =	swait.ge [sflag:s4], $0x0  }
0x19: {  	s7 =	sld [smem:$0x3F9E]  }
0x1a: {  	s8 =	sadd.s32 $0xFFFFE003, lr  }
0x1b: {  	s9 =	sadd.s32 $0xFFFFFEF7, lr;
	s5 =	simm.s32 $0xFFFFFFFF;
	p2 =	slt.u32 s8, $0xFFFFF086  }
0x1c: {  	p1 =	slt.u32 s9, $0xF7A;
	s5 =	simm.s32 @!p2 $0x0  }
0x1d: {  	s5 =	simm.s32 @p1 $0x1;
	p0 =	seq.s32 s7, s2  }
0x1e: {  	s7 =	smul.u32 @!p0 $0xF7A, s2;
	p2 =	seq.s32 @!p0 s5, $0x0  }
0x1f: {  	s9 =	smul.u32 $0xF7A, s1;
	s8 =	simm.s32 @!p0 $0x1BF5;
	p2 =	por !p2, p0  }
0x20: {  	[sflag:s8] =	ssyncset.s32 @!p0 $0xFFFFF086;
	s6 =	sadd.s32 @!p0 s3, s7;
	s7 =	simm.s32 @!p0 $0x108  }
0x21: {  	s3 =	sadd.s32 s3, s9;
	s6 =	sadd.s32 @!p0 $0x88, s6;
	s7 =	simm.s32 @p2 $0x1082  }
0x22: {  	[simem:s7], [sflag:s8] =	dma.local @!p0 [hbm:s6], $0xF7A  }
0x23: {  	s9 =	sor.u32 $0xD0000000, s2;
	s6 =	simm.s32 $0x108;
	_ =	swait.ge @!p0 [sflag:s8], $0x0  }
0x24: {  	s3 =	sadd.s32 $0x88, s3;
	s6 =	simm.s32 @!p1 $0x1082;
	[sflag:s4] =	ssyncset.s32 $0xFFFFF086  }
0x25: {  	[simem:s6], [sflag:s4] =	dma.local [hbm:s3], $0xF7A  }
0x26: {  	[smem:$0x3F9E] =	sst s1;
	(tag) =	ssettag s2;
	_ =	strace s9  }
0x27: {  	s1 =	sld [smem:$0x3FAE]  }
0x28: {  	s2 =	sld [smem:$0x3FAF]  }
0x29: {  	s4 =	sld [smem:$0x3FB1]  }
0x2a: {  	p0 =	seq.s32 s5, $0x0;
	s5 =	sld [smem:$0x3FB2]  }
0x2b: {  	s6 =	sld [smem:$0x3FB3]  }
0x2c: {  	s7 =	sld [smem:$0x3FB4]  }
0x2d: {  	s3 =	simm.s32 $0x108;
	s8 =	sld [smem:$0x3FB5]  }
0x2e: {  	s3 =	simm.s32 @!p0 $0x1082;
	s9 =	sld [smem:$0x3FB6]  }
0x2f: {  	lr =	sadd.s32 s0, s3;
	s0 =	sld [smem:$0x3FAD]  }
0x30: {  	s3 =	sld [smem:$0x3FB0]  }
0x31: {  	[smem:$0x3FB9] =	sst s10  }
0x32: {  	s10 =	sld [smem:$0x3FB7];
	_ =	sdelay $0x3  }
0x33: {  	p0 =	seq.s32 s10, $0x1;
	s10 =	sld [smem:$0x3FB9];
	_ =	sdelay $0x3  }
0x34: {  	[smem:$0x3FB9] =	sst s10  }
0x35: {  	s10 =	sld [smem:$0x3FB8];
	_ =	sdelay $0x3  }
0x36: {  	p1 =	seq.s32 s10, $0x1;
	s10 =	sld [smem:$0x3FB9];
	_ =	sdelay $0x3  }
0x37: {  	[smem:$0x3FB9] =	sst s10  }
0x38: {  	s10 =	sld [smem:$0x3FBA]  }
0x39: {  	_ = 	snop;
	(pc) =	sbr.ind lr, $3  }
0x3a: {  	_ = 	snop  }
0x3b: {  	_ = 	snop  }
0x3c: {  	p2 =	seq.s32 s10, $0x1;
	s10 =	sld [smem:$0x3FB9]  }
0x3d: {  	_ =	shalt  }
0x3e: {  	_ =	shalt  }
0x3f: {  	_ =	shalt  }
0x40: {  	_ =	shalt  }
0x41: {  	_ =	shalt  }
0x42: {  	_ =	shalt  }
0x43: {  	_ =	shalt  }
0x44: {  	_ =	shalt  }
0x45: {  	_ =	shalt  }
0x46: {  	_ =	shalt  }
0x47: {  	_ =	shalt  }
0x48: {  	_ =	shalt  }
0x49: {  	_ =	shalt  }
0x4a: {  	_ =	shalt  }
0x4b: {  	_ =	shalt  }
0x4c: {  	_ =	shalt  }
0x4d: {  	_ =	shalt  }
0x4e: {  	_ =	shalt  }
0x4f: {  	_ =	shalt  }
0x50: {  	_ =	shalt  }
0x51: {  	_ =	shalt  }
0x52: {  	_ =	shalt  }
0x53: {  	_ =	shalt  }
0x54: {  	_ =	shalt  }
0x55: {  	_ =	shalt  }
0x56: {  	_ =	shalt  }
0x57: {  	_ =	shalt  }
0x58: {  	_ =	shalt  }
0x59: {  	_ =	shalt  }
0x5a: {  	_ =	shalt  }
0x5b: {  	_ =	shalt  }
0x5c: {  	_ =	shalt  }
0x5d: {  	_ =	shalt  }
0x5e: {  	_ =	shalt  }
0x5f: {  	_ =	shalt  }
0x60: {  	_ =	shalt  }
0x61: {  	_ =	shalt  }
0x62: {  	_ =	shalt  }
0x63: {  	_ =	shalt  }
0x64: {  	_ =	shalt  }
0x65: {  	_ =	shalt  }
0x66: {  	_ =	shalt  }
0x67: {  	_ =	shalt  }
0x68: {  	_ =	shalt  }
0x69: {  	_ =	shalt  }
0x6a: {  	_ =	shalt  }
0x6b: {  	_ =	shalt  }
0x6c: {  	_ =	shalt  }
0x6d: {  	_ =	shalt  }
0x6e: {  	_ =	shalt  }
0x6f: {  	_ =	shalt  }
0x70: {  	_ =	shalt  }
0x71: {  	_ =	shalt  }
0x72: {  	_ =	shalt  }
0x73: {  	_ =	shalt  }
0x74: {  	_ =	shalt  }
0x75: {  	_ =	shalt  }
0x76: {  	_ =	shalt  }
0x77: {  	_ =	shalt  }
0x78: {  	_ =	shalt  }
0x79: {  	_ =	shalt  }
0x7a: {  	_ =	shalt  }
0x7b: {  	_ =	shalt  }
0x7c: {  	_ =	shalt  }
0x7d: {  	_ =	shalt  }
0x7e: {  	_ =	shalt  }
0x7f: {  	_ =	shalt  }
0x80: {  	_ =	shalt  }
0x81: {  	_ =	shalt  }
0x82: {  	_ =	shalt  }
0x83: {  	_ =	shalt  }
0x84: {  	_ =	shalt  }
0x85: {  	_ =	shalt  }
0x86: {  	_ =	shalt  }
0x87: {  	_ =	shalt  }
.Lfunc_end0:
.L_simem_size_0:
called_computation_lowered:
.L_overlay_start_0:
0x88: {  	s2 =	sld [smem:$0x3FD9]  }
0x89: {  	s3 =	sld [smem:$0x3FFE];
	_ =	sdelay $0x1  }
0x8a: {  	s1 =	srdreg.scid  }
0x8b: {  	s0 =	sand.u32 $0x1, s1  }
0x8c: {  	s17 =	sshll.u32 s0, $0xA;
	s2 =	sadd.s32 s3, s2  }
0x8d: {  	s2 =	sadd.s32 s2, s17  }
0x8e: {  	[smem:$0x3FC5] =	sst s2  }
0x8f: {  	_ = 	snop  }
0x90: {  	s2 =	sld [smem:$0x3FC8]  }
0x91: {  	s18 =	sld [smem:$0x3FC7]  }
0x92: {  	s4 =	sld [smem:$0x3FD0];
	(tm) =	ssettm $0x1  }
0x93: {  	s5 =	sld [smem:$0x3FFB];
	_ =	sdelay $0x3  }
0x94: {  	_ =	strace s5  }
0x95: {  	s5 =	sld [smem:$0x3FFC];
	_ =	sdelay $0x3  }
0x96: {  	_ =	strace s5  }
0x97: {  	s5 =	sld [smem:$0x3FFD];
	_ =	sdelay $0x3  }
0x98: {  	_ =	strace s5  }
0x99: {  	_ =	strace $0x8FFFFFFF  }
0x9a: {  	s19 =	sld [smem:$0x3FDB];
	_ =	sdelay $0x1  }
0x9b: {  	s6 =	simm.s32 $_scs_section_size  }
0x9c: {  	s7 =	simm.s32 $_size__tile_overlayer_lowered;
	s8 =	simm.s32 $_tile_overlayer_lowered  }
0x9d: {  	s22 =	simm.s32 $0x1BFF;
	s21 =	sshll.u32 s8, $0x1;
	s5 =	sadd.s32 s6, s19  }
0x9e: {  	s9 =	simm.s32 $0x0;
	s20 =	sshll.u32 s7, $0x1;
	s7 =	sadd.s32 s21, s5  }
0x9f: {  	[timem:s9], [sflag:s22] =	dma.local [hbm:s7], s20  }
0xa0: {  	_ =	swait.ge [sflag:s22], s20  }
0xa1: {  	s6 =	ssub.s32 $0x0, s20;
	[sflag:s22] =	ssyncset.done $0x0  }
0xa2: {  	[sflag:s22] =	ssyncadd.s32 s6;
	_ =	sdelay $0x1  }
0xa3: {  	s23 =	simm.s32 $0x1B8B  }
0xa4: {  	_ =	swait.ge [sflag:s23], $0x1  }
0xa5: {  	[sflag:s23] =	ssyncset.done $0x0  }
0xa6: {  	s25 =	simm.s32 $0x1B8E;
	s24 =	sld [smem:$0x3FFE];
	[sflag:s23] =	ssyncadd.s32 $0xFFFFFFFF  }
0xa7: {  	s26 =	simm.s32 $execute0_lowered;
	[smem:$0x3FD2] =	sst s25  }
0xa8: {  	s7 =	sshll.u32 s26, $0x1;
	_ =	strace $0x80000046;
	[dreg:$0x1] =	wrdreg $0xFFFFFFFF  }
0xa9: {  	s28 =	simm.s32 $_size_execute0_lowered;
	s5 =	sadd.s32 s5, s7;
	[dreg:$0x0] =	wrdreg $0x0  }
0xaa: {  	s7 =	sshll.u32 s28, $0x1;
	[dreg:$0x2] =	wrdreg s5  }
0xab: {  	[dreg:$0x3] =	wrdreg s7  }
0xac: {  	[dreg:$0x4] =	wrdreg $0xC0  }
0xad: {  	_ =	task [dreg:s9], $0x5FFFF  }
0xae: {  	[dreg:$0x1] =	wrdreg $0xFFFFFFFF  }
0xaf: {  	[dreg:$0x0] =	wrdreg $0x60  }
0xb0: {  	[dreg:$0x2] =	wrdreg s24  }
0xb1: {  	[dreg:$0x3] =	wrdreg s2  }
0xb2: {  	[dreg:$0x4] =	wrdreg s18  }
0xb3: {  	[dreg:$0x5] =	wrdreg s4  }
0xb4: {  	[dreg:$0x6] =	wrdreg $0x9  }
0xb5: {  	_ =	task.clear_ibuf [dreg:s9], $0x7FFFF;
	_ =	strace $0x90000046  }
0xb6: {  	s29 =	simm.s32 $0x9;
	_ =	strace $0x80000048  }
0xb7: {  	_ =	swait.ge [sflag:s29], $0x1  }
0xb8: {  	[sflag:s29] =	ssyncadd.s32 $0xFFFFFFFF  }
0xb9: {  	_ =	strace $0x90000048  }
0xba: {  	_ =	sfence  }
0xbb: {  	s30 =	sld [smem:$0x0];
	_ =	sdelay $0x2  }
0xbc: {  	s31 =	sshll.u32 s1, $0xD;
	s1 =	sshrl.u32 s1, $0x2  }
0xbd: {  	s3 =	sand.u32 $0x4000, s31;
	s1 =	sadd.s32 s1, s30  }
0xbe: {  	s0 =	sor.u32 s3, s0;
	s1 =	sshll.u32 s1, $0x11  }
0xbf: {  	s0 =	sor.u32 s1, s0  }
0xc0: {  	s0 =	sadd.s32 $0x8F2B, s0  }
0xc1: {  	[sflag:s0] =	ssyncadd.remote.s32 $0x1  }
0xc2: {  	_ =	sfence.sel $0xFFFF  }
0xc3: {  	[dreg:$0x0] =	wrdreg $0xFFFFFFFF;
	(pc) =	sbr.abs _section_cstart, $3  }
0xc4: {  	[dreg:$0x1] =	wrdreg $0xFFFFFFFF  }
0xc5: {  	_ =	task.clear_ibuf [dreg:s9], $0x2FFFF;
	_ =	strace $0x9FFFFFFF  }
0xc6: {  	(tm) =	ssettm $0x7FFFFFFF  }
0xc7: {  	_ =	shalt  }
tec
execute0_lowered:
.L_overlay_start_1:
0x0: {  	(tag) =	ssettag $0x1  }
0x1: {  	s0 =	rddreg [dreg:$0x0]  }
0x2: {  	s1 =	rddreg [dreg:$0x1]  }
0x3: {  	s3 =	rddreg [dreg:$0x2]  }
0x4: {  	s2 =	rddreg [dreg:$0x3]  }
0x5: {  	s5 =	srdreg.scid;
	s6 =	stileid.u32  }
0x6: {  	s4 =	simm.s32 $0x0;
	s5 =	sand.u32 $0x1, s5;
	s6 =	sshll.u32 s6, $0x1  }
0x7: {  	[smem:$0x7FF] =	sst s4;
	s6 =	sor.u32 s5, s6  }
0x8: {  	s31 =	simm.s32 $0x400;
	_ =	strace $0x80000047;
	s7 =	sshll.u32 s6, $0x7  }
0x9: {  	[dreg:$0x6] =	wrdreg s31;
	s12 =	sshll.u32 s6, $0xF;
	s8 =	sadd.s32 s0, s7  }
0xa: {  	s6 =	sadd.s32 s2, s12;
	[dreg:$0x7] =	wrdreg s8  }
0xb: {  	s8 =	sadd.s32 $0x1000, s8;
	[dreg:$0x18] =	wrdreg s6  }
0xc: {  	s2 =	sadd.s32 $0x100, s6;
	[dreg:$0x5] =	wrdreg s8  }
0xd: {  	s15 =	sadd.s32 $0x1000, s6;
	[dreg:$0x9] =	wrdreg s2  }
0xe: {  	s16 =	sadd.s32 $0x1100, s6;
	[dreg:$0xa] =	wrdreg s15  }
0xf: {  	s17 =	sadd.s32 $0x2000, s6;
	[dreg:$0xb] =	wrdreg s16  }
0x10: {  	s18 =	sadd.s32 $0x2100, s6;
	[dreg:$0xc] =	wrdreg s17  }
0x11: {  	s19 =	sadd.s32 $0x3000, s6;
	[dreg:$0xd] =	wrdreg s18  }
0x12: {  	s20 =	sadd.s32 $0x3100, s6;
	[dreg:$0xe] =	wrdreg s19  }
0x13: {  	s21 =	sadd.s32 $0x4000, s6;
	[dreg:$0xf] =	wrdreg s20  }
0x14: {  	s22 =	sadd.s32 $0x4100, s6;
	[dreg:$0x10] =	wrdreg s21  }
0x15: {  	s23 =	sadd.s32 $0x5000, s6;
	[dreg:$0x11] =	wrdreg s22  }
0x16: {  	s24 =	sadd.s32 $0x5100, s6;
	[dreg:$0x12] =	wrdreg s23  }
0x17: {  	s25 =	sadd.s32 $0x6000, s6;
	[dreg:$0x13] =	wrdreg s24  }
0x18: {  	s5 =	ssub.s32 $0x2, s5;
	s26 =	sadd.s32 $0x6100, s6;
	[dreg:$0x14] =	wrdreg s25  }
0x19: {  	s13 =	sshrl.u32 s5, $0x1;
	s29 =	sadd.s32 $0x7000, s6;
	[dreg:$0x15] =	wrdreg s26  }
0x1a: {  	v2 =	vlaneseq.u32;
	s14 =	ssub.s32 s5, s13;
	s30 =	sadd.s32 $0x7100, s6;
	[dreg:$0x16] =	wrdreg s29  }
0x1b: {  	vm0 =	vmmov $0xffff;
	s28 =	simm.s32 $0x5;
	v1 =	vshrl.u32 v2, $0x3;
	s0 =	smax.u32 s14, $0x1;
	[dreg:$0x17] =	wrdreg s30  }
0x1c: {  	v0 =	vand.u32 $0x7, v2;
	v2 =	vor.u32 $0x8, v2;
	v1 =	vmul.u32 $0x8, v1;
	s23 =	simm.s32 $0x1;
	s24 =	simm.s32 $0x2;
	s25 =	simm.s32 $0x4  }
.LBB2_1:
0x1d: {  	[dreg:$0x8] =	wrdreg s0  }
0x1e: {  	s30 =	rddreg [dreg:$0x5]  }
0x1f: {  	s31 =	rddreg [dreg:$0x6]  }
0x20: {  	[tilespmem:s4], [sflag:$0x7] =	stream.linear.gather [hbm4b:s30+s4], $0x400, $0x38;
	[tilespmem:$0x18800] =	vst v63  }
0x21: {  	s22 =	rddreg [dreg:$0x7];
	s26 =	simm.s32 $0x7  }
0x22: {  	[tilespmem:s31], [sflag:$0x7] =	stream.linear.gather [hbm4b:s22+s4], $0x400, $0x38;
	[tilespmem:$0x18800] =	vst v63  }
0x23: {  	_ =	swait.ge [sflag:s26], $0x400  }
0x24: {  	[sflag:s26] =	ssyncset.done $0x0  }
0x25: {  	[sflag:s26] =	ssyncadd.s32 $0xFFFFFC00  }
0x26: {  	_ =	swait.ge [sflag:s26], $0x400  }
0x27: {  	[sflag:s26] =	ssyncset.done $0x0  }
0x28: {  	[sflag:s26] =	ssyncadd.s32 $0xFFFFFC00  }
0x29: {  	v3 =	vld [tilespmem:$0x0];
	_ =	sdelay $0x4  }
0x2a: {  	v4 =	vshll.u32 v3, $0x1  }
0x2b: {  	v3 =	vand.u32 $0x7, v3;
	v4 =	vand.u32 $0xFFFFFFF0, v4  }
0x2c: {  	v3 =	vor.u32 v3, v4  }
0x2d: {  	v4 =	vperm.xlane v3, v0;
	_ =	sdelay $0x1  }
0x2e: {  	v3 =	vperm.xlane v3, v2;
	v4 =	vadd.s32 v1, v4;
	_ =	sdelay $0x1  }
0x2f: {  	v3 =	vadd.s32 v1, v3;
	_ =	sdelay $0x1  }
0x30: {  	s29 =	simm.s32 $0x800  }
0x31: {  	[tilespmem:s29], [sflag:$0x1] =	stream.indirect_vreg.gather [hbm4b:s1+s4], $0x80, v4, vm0, $0xb8;
	[tilespmem:$0x18800] =	vst v63  }
0x32: {  	s30 =	simm.s32 $0x1800  }
0x33: {  	[tilespmem:s30], [sflag:$0x1] =	stream.indirect_vreg.gather [hbm4b:s1+s4], $0x80, v3, vm0, $0xb8;
	[tilespmem:$0x18800] =	vst v63  }
0x34: {  	v3 =	vld [tilespmem:$0x10];
	_ =	sdelay $0x4  }
0x35: {  	v57 =	vshll.u32 v3, $0x1  }
0x36: {  	v3 =	vand.u32 $0x7, v3;
	v4 =	vand.u32 $0xFFFFFFF0, v57  }
0x37: {  	v3 =	vor.u32 v3, v4  }
0x38: {  	v4 =	vperm.xlane v3, v0;
	_ =	sdelay $0x1  }
0x39: {  	v3 =	vperm.xlane v3, v2;
	v4 =	vadd.s32 v1, v4;
	_ =	sdelay $0x1  }
0x3a: {  	v3 =	vadd.s32 v1, v3;
	_ =	sdelay $0x1  }
0x3b: {  	s5 =	simm.s32 $0x2800  }
0x3c: {  	[tilespmem:s5], [sflag:$0x1] =	stream.indirect_vreg.gather [hbm4b:s1+s4], $0x80, v4, vm0, $0xb8;
	[tilespmem:$0x18800] =	vst v63  }
0x3d: {  	s31 =	simm.s32 $0x3800  }
0x3e: {  	[tilespmem:s31], [sflag:$0x1] =	stream.indirect_vreg.gather [hbm4b:s1+s4], $0x80, v3, vm0, $0xb8;
	[tilespmem:$0x18800] =	vst v63  }
0x3f: {  	v3 =	vld [tilespmem:$0x20];
	_ =	sdelay $0x4  }
0x40: {  	v58 =	vshll.u32 v3, $0x1  }
0x41: {  	v3 =	vand.u32 $0x7, v3;
	v4 =	vand.u32 $0xFFFFFFF0, v58  }
0x42: {  	v3 =	vor.u32 v3, v4  }
0x43: {  	v4 =	vperm.xlane v3, v0;
	_ =	sdelay $0x1  }
0x44: {  	v3 =	vperm.xlane v3, v2;
	v4 =	vadd.s32 v1, v4;
	_ =	sdelay $0x1  }
0x45: {  	v3 =	vadd.s32 v1, v3;
	_ =	sdelay $0x1  }
0x46: {  	s0 =	simm.s32 $0x4800  }
0x47: {  	[tilespmem:s0], [sflag:$0x1] =	stream.indirect_vreg.gather [hbm4b:s1+s4], $0x80, v4, vm0, $0xb8;
	[tilespmem:$0x18800] =	vst v63  }
0x48: {  	s2 =	simm.s32 $0x5800  }
0x49: {  	[tilespmem:s2], [sflag:$0x1] =	stream.indirect_vreg.gather [hbm4b:s1+s4], $0x80, v3, vm0, $0xb8;
	[tilespmem:$0x18800] =	vst v63  }
0x4a: {  	v3 =	vld [tilespmem:$0x30];
	_ =	sdelay $0x4  }
0x4b: {  	v59 =	vshll.u32 v3, $0x1  }
0x4c: {  	v3 =	vand.u32 $0x7, v3;
	v4 =	vand.u32 $0xFFFFFFF0, v59  }
0x4d: {  	v3 =	vor.u32 v3, v4  }
0x4e: {  	v4 =	vperm.xlane v3, v0;
	_ =	sdelay $0x1  }
0x4f: {  	v3 =	vperm.xlane v3, v2;
	v4 =	vadd.s32 v1, v4;
	_ =	sdelay $0x1  }
0x50: {  	v3 =	vadd.s32 v1, v3;
	_ =	sdelay $0x1  }
0x51: {  	s5 =	simm.s32 $0x6800  }
0x52: {  	[tilespmem:s5], [sflag:$0x1] =	stream.indirect_vreg.gather [hbm4b:s1+s4], $0x80, v4, vm0, $0xb8;
	[tilespmem:$0x18800] =	vst v63  }
0x53: {  	s6 =	simm.s32 $0x7800  }
0x54: {  	[tilespmem:s6], [sflag:$0x1] =	stream.indirect_vreg.gather [hbm4b:s1+s4], $0x80, v3, vm0, $0xb8;
	[tilespmem:$0x18800] =	vst v63  }
0x55: {  	v3 =	vld [tilespmem:$0x400];
	_ =	sdelay $0x4  }
0x56: {  	v60 =	vshll.u32 v3, $0x1  }
0x57: {  	v3 =	vand.u32 $0x7, v3;
	v4 =	vand.u32 $0xFFFFFFF0, v60  }
0x58: {  	v3 =	vor.u32 v3, v4  }
0x59: {  	v4 =	vperm.xlane v3, v0;
	_ =	sdelay $0x1  }
0x5a: {  	v3 =	vperm.xlane v3, v2;
	v4 =	vadd.s32 v1, v4;
	_ =	sdelay $0x1  }
0x5b: {  	v3 =	vadd.s32 v1, v3;
	_ =	sdelay $0x1  }
0x5c: {  	s7 =	simm.s32 $0x1000  }
0x5d: {  	[tilespmem:s7], [sflag:$0x1] =	stream.indirect_vreg.gather [hbm4b:s3+s4], $0x80, v4, vm0, $0xb8;
	[tilespmem:$0x18800] =	vst v63  }
0x5e: {  	s8 =	simm.s32 $0x2000  }
0x5f: {  	[tilespmem:s8], [sflag:$0x1] =	stream.indirect_vreg.gather [hbm4b:s3+s4], $0x80, v3, vm0, $0xb8;
	[tilespmem:$0x18800] =	vst v63  }
0x60: {  	v3 =	vld [tilespmem:$0x410];
	_ =	sdelay $0x4  }
0x61: {  	v61 =	vshll.u32 v3, $0x1  }
0x62: {  	v3 =	vand.u32 $0x7, v3;
	v4 =	vand.u32 $0xFFFFFFF0, v61  }
0x63: {  	v3 =	vor.u32 v3, v4  }
0x64: {  	v4 =	vperm.xlane v3, v0;
	_ =	sdelay $0x1  }
0x65: {  	v3 =	vperm.xlane v3, v2;
	v4 =	vadd.s32 v1, v4;
	_ =	sdelay $0x1  }
0x66: {  	v3 =	vadd.s32 v1, v3;
	_ =	sdelay $0x1  }
0x67: {  	s9 =	simm.s32 $0x3000  }
0x68: {  	[tilespmem:s9], [sflag:$0x1] =	stream.indirect_vreg.gather [hbm4b:s3+s4], $0x80, v4, vm0, $0xb8;
	[tilespmem:$0x18800] =	vst v63  }
0x69: {  	s10 =	simm.s32 $0x4000  }
0x6a: {  	[tilespmem:s10], [sflag:$0x1] =	stream.indirect_vreg.gather [hbm4b:s3+s4], $0x80, v3, vm0, $0xb8;
	[tilespmem:$0x18800] =	vst v63  }
0x6b: {  	v3 =	vld [tilespmem:$0x420];
	_ =	sdelay $0x4  }
0x6c: {  	v62 =	vshll.u32 v3, $0x1  }
0x6d: {  	v3 =	vand.u32 $0x7, v3;
	v4 =	vand.u32 $0xFFFFFFF0, v62  }
0x6e: {  	v3 =	vor.u32 v3, v4  }
0x6f: {  	v4 =	vperm.xlane v3, v0;
	_ =	sdelay $0x1  }
0x70: {  	v3 =	vperm.xlane v3, v2;
	v4 =	vadd.s32 v1, v4;
	_ =	sdelay $0x1  }
0x71: {  	v3 =	vadd.s32 v1, v3;
	_ =	sdelay $0x1  }
0x72: {  	s11 =	simm.s32 $0x5000  }
0x73: {  	[tilespmem:s11], [sflag:$0x1] =	stream.indirect_vreg.gather [hbm4b:s3+s4], $0x80, v4, vm0, $0xb8;
	[tilespmem:$0x18800] =	vst v63  }
0x74: {  	s13 =	simm.s32 $0x6000  }
0x75: {  	[tilespmem:s13], [sflag:$0x1] =	stream.indirect_vreg.gather [hbm4b:s3+s4], $0x80, v3, vm0, $0xb8;
	[tilespmem:$0x18800] =	vst v63  }
0x76: {  	v3 =	vld [tilespmem:$0x430];
	_ =	sdelay $0x4  }
0x77: {  	v63 =	vshll.u32 v3, $0x1  }
0x78: {  	v3 =	vand.u32 $0x7, v3;
	v4 =	vand.u32 $0xFFFFFFF0, v63  }
0x79: {  	v3 =	vor.u32 v3, v4  }
0x7a: {  	v4 =	vperm.xlane v3, v0;
	_ =	sdelay $0x1  }
0x7b: {  	v3 =	vperm.xlane v3, v2;
	v4 =	vadd.s32 v1, v4;
	_ =	sdelay $0x1  }
0x7c: {  	v3 =	vadd.s32 v1, v3;
	_ =	sdelay $0x1  }
0x7d: {  	s15 =	simm.s32 $0x7000  }
0x7e: {  	[tilespmem:s15], [sflag:$0x1] =	stream.indirect_vreg.gather [hbm4b:s3+s4], $0x80, v4, vm0, $0xb8;
	[tilespmem:$0x18800] =	vst v63  }
0x7f: {  	s16 =	simm.s32 $0x8000  }
0x80: {  	[tilespmem:s16], [sflag:$0x1] =	stream.indirect_vreg.gather [hbm4b:s3+s4], $0x80, v3, vm0, $0xb8;
	[tilespmem:$0x18800] =	vst v63  }
0x81: {  	v3 =	vld [tilespmem:$0x80];
	_ =	sdelay $0x4  }
0x82: {  	v8 =	vshll.u32 v3, $0x1  }
0x83: {  	v3 =	vand.u32 $0x7, v3;
	v4 =	vand.u32 $0xFFFFFFF0, v8  }
0x84: {  	v3 =	vor.u32 v3, v4  }
0x85: {  	v4 =	vperm.xlane v3, v0;
	_ =	sdelay $0x1  }
0x86: {  	v3 =	vperm.xlane v3, v2;
	v4 =	vadd.s32 v1, v4;
	_ =	sdelay $0x1  }
0x87: {  	v3 =	vadd.s32 v1, v3;
	_ =	sdelay $0x1  }
0x88: {  	s17 =	simm.s32 $0x8800  }
0x89: {  	[tilespmem:s17], [sflag:$0x2] =	stream.indirect_vreg.gather [hbm4b:s1+s4], $0x80, v4, vm0, $0xb8;
	[tilespmem:$0x18800] =	vst v63  }
0x8a: {  	s18 =	simm.s32 $0x9800  }
0x8b: {  	[tilespmem:s18], [sflag:$0x2] =	stream.indirect_vreg.gather [hbm4b:s1+s4], $0x80, v3, vm0, $0xb8;
	[tilespmem:$0x18800] =	vst v63  }
0x8c: {  	v3 =	vld [tilespmem:$0x90];
	_ =	sdelay $0x4  }
0x8d: {  	v9 =	vshll.u32 v3, $0x1  }
0x8e: {  	v3 =	vand.u32 $0x7, v3;
	v4 =	vand.u32 $0xFFFFFFF0, v9  }
0x8f: {  	v3 =	vor.u32 v3, v4  }
0x90: {  	v4 =	vperm.xlane v3, v0;
	_ =	sdelay $0x1  }
0x91: {  	v3 =	vperm.xlane v3, v2;
	v4 =	vadd.s32 v1, v4;
	_ =	sdelay $0x1  }
0x92: {  	v3 =	vadd.s32 v1, v3;
	_ =	sdelay $0x1  }
0x93: {  	s26 =	simm.s32 $0xA800  }
0x94: {  	[tilespmem:s26], [sflag:$0x2] =	stream.indirect_vreg.gather [hbm4b:s1+s4], $0x80, v4, vm0, $0xb8;
	[tilespmem:$0x18800] =	vst v63  }
0x95: {  	s6 =	simm.s32 $0xB800  }
0x96: {  	[tilespmem:s6], [sflag:$0x2] =	stream.indirect_vreg.gather [hbm4b:s1+s4], $0x80, v3, vm0, $0xb8;
	[tilespmem:$0x18800] =	vst v63  }
0x97: {  	v3 =	vld [tilespmem:$0xA0];
	_ =	sdelay $0x4  }
0x98: {  	v10 =	vshll.u32 v3, $0x1  }
0x99: {  	v3 =	vand.u32 $0x7, v3;
	v4 =	vand.u32 $0xFFFFFFF0, v10  }
0x9a: {  	v3 =	vor.u32 v3, v4  }
0x9b: {  	v4 =	vperm.xlane v3, v0;
	_ =	sdelay $0x1  }
0x9c: {  	v3 =	vperm.xlane v3, v2;
	v4 =	vadd.s32 v1, v4;
	_ =	sdelay $0x1  }
0x9d: {  	v3 =	vadd.s32 v1, v3;
	_ =	sdelay $0x1  }
0x9e: {  	s8 =	simm.s32 $0xC800  }
0x9f: {  	[tilespmem:s8], [sflag:$0x2] =	stream.indirect_vreg.gather [hbm4b:s1+s4], $0x80, v4, vm0, $0xb8;
	[tilespmem:$0x18800] =	vst v63  }
0xa0: {  	s9 =	simm.s32 $0xD800  }
0xa1: {  	[tilespmem:s9], [sflag:$0x2] =	stream.indirect_vreg.gather [hbm4b:s1+s4], $0x80, v3, vm0, $0xb8;
	[tilespmem:$0x18800] =	vst v63  }
0xa2: {  	v3 =	vld [tilespmem:$0xB0];
	_ =	sdelay $0x4  }
0xa3: {  	v11 =	vshll.u32 v3, $0x1  }
0xa4: {  	v3 =	vand.u32 $0x7, v3;
	v4 =	vand.u32 $0xFFFFFFF0, v11  }
0xa5: {  	v3 =	vor.u32 v3, v4  }
0xa6: {  	v4 =	vperm.xlane v3, v0;
	_ =	sdelay $0x1  }
0xa7: {  	v3 =	vperm.xlane v3, v2;
	v4 =	vadd.s32 v1, v4;
	_ =	sdelay $0x1  }
0xa8: {  	v3 =	vadd.s32 v1, v3;
	_ =	sdelay $0x1  }
0xa9: {  	s26 =	simm.s32 $0xE800  }
0xaa: {  	[tilespmem:s26], [sflag:$0x2] =	stream.indirect_vreg.gather [hbm4b:s1+s4], $0x80, v4, vm0, $0xb8;
	[tilespmem:$0x18800] =	vst v63  }
0xab: {  	s10 =	simm.s32 $0xF800  }
0xac: {  	[tilespmem:s10], [sflag:$0x2] =	stream.indirect_vreg.gather [hbm4b:s1+s4], $0x80, v3, vm0, $0xb8;
	[tilespmem:$0x18800] =	vst v63  }
0xad: {  	v3 =	vld [tilespmem:$0x480];
	_ =	sdelay $0x4  }
0xae: {  	v12 =	vshll.u32 v3, $0x1  }
0xaf: {  	v3 =	vand.u32 $0x7, v3;
	v4 =	vand.u32 $0xFFFFFFF0, v12  }
0xb0: {  	v3 =	vor.u32 v3, v4  }
0xb1: {  	v4 =	vperm.xlane v3, v0;
	_ =	sdelay $0x1  }
0xb2: {  	v3 =	vperm.xlane v3, v2;
	v4 =	vadd.s32 v1, v4;
	_ =	sdelay $0x1  }
0xb3: {  	v3 =	vadd.s32 v1, v3;
	_ =	sdelay $0x1  }
0xb4: {  	s11 =	simm.s32 $0x9000  }
0xb5: {  	[tilespmem:s11], [sflag:$0x2] =	stream.indirect_vreg.gather [hbm4b:s3+s4], $0x80, v4, vm0, $0xb8;
	[tilespmem:$0x18800] =	vst v63  }
0xb6: {  	s13 =	simm.s32 $0xA000  }
0xb7: {  	[tilespmem:s13], [sflag:$0x2] =	stream.indirect_vreg.gather [hbm4b:s3+s4], $0x80, v3, vm0, $0xb8;
	[tilespmem:$0x18800] =	vst v63  }
0xb8: {  	v3 =	vld [tilespmem:$0x490];
	_ =	sdelay $0x4  }
0xb9: {  	v13 =	vshll.u32 v3, $0x1  }
0xba: {  	v3 =	vand.u32 $0x7, v3;
	v4 =	vand.u32 $0xFFFFFFF0, v13  }
0xbb: {  	v3 =	vor.u32 v3, v4  }
0xbc: {  	v4 =	vperm.xlane v3, v0;
	_ =	sdelay $0x1  }
0xbd: {  	v3 =	vperm.xlane v3, v2;
	v4 =	vadd.s32 v1, v4;
	_ =	sdelay $0x1  }
0xbe: {  	v3 =	vadd.s32 v1, v3;
	_ =	sdelay $0x1  }
0xbf: {  	s9 =	simm.s32 $0xB000  }
0xc0: {  	[tilespmem:s9], [sflag:$0x2] =	stream.indirect_vreg.gather [hbm4b:s3+s4], $0x80, v4, vm0, $0xb8;
	[tilespmem:$0x18800] =	vst v63  }
0xc1: {  	s15 =	simm.s32 $0xC000  }
0xc2: {  	[tilespmem:s15], [sflag:$0x2] =	stream.indirect_vreg.gather [hbm4b:s3+s4], $0x80, v3, vm0, $0xb8;
	[tilespmem:$0x18800] =	vst v63  }
0xc3: {  	v3 =	vld [tilespmem:$0x4A0];
	_ =	sdelay $0x4  }
0xc4: {  	v14 =	vshll.u32 v3, $0x1  }
0xc5: {  	v3 =	vand.u32 $0x7, v3;
	v4 =	vand.u32 $0xFFFFFFF0, v14  }
0xc6: {  	v3 =	vor.u32 v3, v4  }
0xc7: {  	v4 =	vperm.xlane v3, v0;
	_ =	sdelay $0x1  }
0xc8: {  	v3 =	vperm.xlane v3, v2;
	v4 =	vadd.s32 v1, v4;
	_ =	sdelay $0x1  }
0xc9: {  	v3 =	vadd.s32 v1, v3;
	_ =	sdelay $0x1  }
0xca: {  	s16 =	simm.s32 $0xD000  }
0xcb: {  	[tilespmem:s16], [sflag:$0x2] =	stream.indirect_vreg.gather [hbm4b:s3+s4], $0x80, v4, vm0, $0xb8;
	[tilespmem:$0x18800] =	vst v63  }
0xcc: {  	s30 =	simm.s32 $0xE000  }
0xcd: {  	[tilespmem:s30], [sflag:$0x2] =	stream.indirect_vreg.gather [hbm4b:s3+s4], $0x80, v3, vm0, $0xb8;
	[tilespmem:$0x18800] =	vst v63  }
0xce: {  	v3 =	vld [tilespmem:$0x4B0];
	_ =	sdelay $0x4  }
0xcf: {  	v15 =	vshll.u32 v3, $0x1  }
0xd0: {  	v3 =	vand.u32 $0x7, v3;
	v4 =	vand.u32 $0xFFFFFFF0, v15  }
0xd1: {  	v3 =	vor.u32 v3, v4  }
0xd2: {  	v4 =	vperm.xlane v3, v0;
	_ =	sdelay $0x1  }
0xd3: {  	v3 =	vperm.xlane v3, v2;
	v4 =	vadd.s32 v1, v4;
	_ =	sdelay $0x1  }
0xd4: {  	v3 =	vadd.s32 v1, v3;
	_ =	sdelay $0x1  }
0xd5: {  	s11 =	simm.s32 $0xF000  }
0xd6: {  	[tilespmem:s11], [sflag:$0x2] =	stream.indirect_vreg.gather [hbm4b:s3+s4], $0x80, v4, vm0, $0xb8;
	[tilespmem:$0x18800] =	vst v63  }
0xd7: {  	s6 =	simm.s32 $0x10000  }
0xd8: {  	[tilespmem:s6], [sflag:$0x2] =	stream.indirect_vreg.gather [hbm4b:s3+s4], $0x80, v3, vm0, $0xb8;
	[tilespmem:$0x18800] =	vst v63  }
0xd9: {  	_ =	swait.ge [sflag:s23], $0x4000  }
0xda: {  	[sflag:s23] =	ssyncset.done $0x0  }
0xdb: {  	s14 =	simm.s32 $0x800;
	s6 =	rddreg [dreg:$0x18];
	[sflag:s23] =	ssyncadd.s32 $0xFFFFC000  }
0xdc: {  	[hbm4b:s6+s4] =	stream.linear.scatter [tilespmem:s14], [sflag:$0x4], $0x800, $0x38;
	[tilespmem:$0x18800] =	vst v63  }
0xdd: {  	s12 =	simm.s32 $0x1800;
	s9 =	sadd.s32 $0x200, s6  }
0xde: {  	[hbm4b:s9+s4] =	stream.linear.scatter [tilespmem:s12], [sflag:$0x4], $0x800, $0x38;
	[tilespmem:$0x18800] =	vst v63  }
0xdf: {  	s20 =	simm.s32 $0x2800;
	s11 =	sadd.s32 $0x400, s6  }
0xe0: {  	[hbm4b:s11+s4] =	stream.linear.scatter [tilespmem:s20], [sflag:$0x4], $0x800, $0x38;
	[tilespmem:$0x18800] =	vst v63  }
0xe1: {  	s19 =	simm.s32 $0x3800;
	s12 =	sadd.s32 $0x600, s6  }
0xe2: {  	[hbm4b:s12+s4] =	stream.linear.scatter [tilespmem:s19], [sflag:$0x4], $0x800, $0x38;
	[tilespmem:$0x18800] =	vst v63  }
0xe3: {  	s20 =	simm.s32 $0x4800;
	s19 =	sadd.s32 $0x800, s6  }
0xe4: {  	[hbm4b:s19+s4] =	stream.linear.scatter [tilespmem:s20], [sflag:$0x4], $0x800, $0x38;
	[tilespmem:$0x18800] =	vst v63  }
0xe5: {  	s21 =	simm.s32 $0x5800;
	s26 =	sadd.s32 $0xA00, s6  }
0xe6: {  	[hbm4b:s26+s4] =	stream.linear.scatter [tilespmem:s21], [sflag:$0x4], $0x800, $0x38;
	[tilespmem:$0x18800] =	vst v63  }
0xe7: {  	s9 =	sadd.s32 $0xC00, s6;
	s11 =	simm.s32 $0x6800  }
0xe8: {  	[hbm4b:s9+s4] =	stream.linear.scatter [tilespmem:s11], [sflag:$0x4], $0x800, $0x38;
	[tilespmem:$0x18800] =	vst v63  }
0xe9: {  	s12 =	sadd.s32 $0xE00, s6;
	s19 =	simm.s32 $0x7800  }
0xea: {  	[hbm4b:s12+s4] =	stream.linear.scatter [tilespmem:s19], [sflag:$0x4], $0x800, $0x38;
	[tilespmem:$0x18800] =	vst v63  }
0xeb: {  	_ =	swait.ge [sflag:s23], $0x4000  }
0xec: {  	[sflag:s23] =	ssyncset.done $0x0  }
0xed: {  	s31 =	simm.s32 $0x1000;
	s26 =	rddreg [dreg:$0x9];
	[sflag:s23] =	ssyncadd.s32 $0xFFFFC000  }
0xee: {  	[hbm4b:s26+s4] =	stream.linear.scatter [tilespmem:s31], [sflag:$0x4], $0x800, $0x38;
	[tilespmem:$0x18800] =	vst v63  }
0xef: {  	s21 =	simm.s32 $0x2000;
	s20 =	sadd.s32 $0x200, s26  }
0xf0: {  	[hbm4b:s20+s4] =	stream.linear.scatter [tilespmem:s21], [sflag:$0x4], $0x800, $0x38;
	[tilespmem:$0x18800] =	vst v63  }
0xf1: {  	s22 =	simm.s32 $0x3000;
	s31 =	sadd.s32 $0x400, s26  }
0xf2: {  	[hbm4b:s31+s4] =	stream.linear.scatter [tilespmem:s22], [sflag:$0x4], $0x800, $0x38;
	[tilespmem:$0x18800] =	vst v63  }
0xf3: {  	s29 =	simm.s32 $0x4000;
	s6 =	sadd.s32 $0x600, s26  }
0xf4: {  	[hbm4b:s6+s4] =	stream.linear.scatter [tilespmem:s29], [sflag:$0x4], $0x800, $0x38;
	[tilespmem:$0x18800] =	vst v63  }
0xf5: {  	s5 =	simm.s32 $0x5000;
	s11 =	sadd.s32 $0x800, s26  }
0xf6: {  	[hbm4b:s11+s4] =	stream.linear.scatter [tilespmem:s5], [sflag:$0x4], $0x800, $0x38;
	[tilespmem:$0x18800] =	vst v63  }
0xf7: {  	s7 =	simm.s32 $0x6000;
	s12 =	sadd.s32 $0xA00, s26  }
0xf8: {  	[hbm4b:s12+s4] =	stream.linear.scatter [tilespmem:s7], [sflag:$0x4], $0x800, $0x38;
	[tilespmem:$0x18800] =	vst v63  }
0xf9: {  	s0 =	simm.s32 $0x7000;
	s19 =	sadd.s32 $0xC00, s26  }
0xfa: {  	[hbm4b:s19+s4] =	stream.linear.scatter [tilespmem:s0], [sflag:$0x4], $0x800, $0x38;
	[tilespmem:$0x18800] =	vst v63  }
0xfb: {  	s2 =	simm.s32 $0x8000;
	s20 =	sadd.s32 $0xE00, s26  }
0xfc: {  	[hbm4b:s20+s4] =	stream.linear.scatter [tilespmem:s2], [sflag:$0x4], $0x800, $0x38;
	[tilespmem:$0x18800] =	vst v63  }
0xfd: {  	v3 =	vld [tilespmem:$0x100];
	_ =	sdelay $0x4  }
0xfe: {  	v16 =	vshll.u32 v3, $0x1  }
0xff: {  	v3 =	vand.u32 $0x7, v3;
	v4 =	vand.u32 $0xFFFFFFF0, v16  }
0x100: {  	v3 =	vor.u32 v3, v4  }
0x101: {  	v4 =	vperm.xlane v3, v0;
	_ =	sdelay $0x1  }
0x102: {  	v3 =	vperm.xlane v3, v2;
	v4 =	vadd.s32 v1, v4;
	_ =	sdelay $0x1  }
0x103: {  	v3 =	vadd.s32 v1, v3;
	_ =	sdelay $0x1  }
0x104: {  	s21 =	simm.s32 $0x10800  }
0x105: {  	[tilespmem:s21], [sflag:$0x3] =	stream.indirect_vreg.gather [hbm4b:s1+s4], $0x80, v4, vm0, $0xb8;
	[tilespmem:$0x18800] =	vst v63  }
0x106: {  	s22 =	simm.s32 $0x11800  }
0x107: {  	[tilespmem:s22], [sflag:$0x3] =	stream.indirect_vreg.gather [hbm4b:s1+s4], $0x80, v3, vm0, $0xb8;
	[tilespmem:$0x18800] =	vst v63  }
0x108: {  	v3 =	vld [tilespmem:$0x110];
	_ =	sdelay $0x4  }
0x109: {  	v17 =	vshll.u32 v3, $0x1  }
0x10a: {  	v3 =	vand.u32 $0x7, v3;
	v4 =	vand.u32 $0xFFFFFFF0, v17  }
0x10b: {  	v3 =	vor.u32 v3, v4  }
0x10c: {  	v4 =	vperm.xlane v3, v0;
	_ =	sdelay $0x1  }
0x10d: {  	v3 =	vperm.xlane v3, v2;
	v4 =	vadd.s32 v1, v4;
	_ =	sdelay $0x1  }
0x10e: {  	v3 =	vadd.s32 v1, v3;
	_ =	sdelay $0x1  }
0x10f: {  	s26 =	simm.s32 $0x12800  }
0x110: {  	[tilespmem:s26], [sflag:$0x3] =	stream.indirect_vreg.gather [hbm4b:s1+s4], $0x80, v4, vm0, $0xb8;
	[tilespmem:$0x18800] =	vst v63  }
0x111: {  	s29 =	simm.s32 $0x13800  }
0x112: {  	[tilespmem:s29], [sflag:$0x3] =	stream.indirect_vreg.gather [hbm4b:s1+s4], $0x80, v3, vm0, $0xb8;
	[tilespmem:$0x18800] =	vst v63  }
0x113: {  	v3 =	vld [tilespmem:$0x120];
	_ =	sdelay $0x4  }
0x114: {  	v18 =	vshll.u32 v3, $0x1  }
0x115: {  	v3 =	vand.u32 $0x7, v3;
	v4 =	vand.u32 $0xFFFFFFF0, v18  }
0x116: {  	v3 =	vor.u32 v3, v4  }
0x117: {  	v4 =	vperm.xlane v3, v0;
	_ =	sdelay $0x1  }
0x118: {  	v3 =	vperm.xlane v3, v2;
	v4 =	vadd.s32 v1, v4;
	_ =	sdelay $0x1  }
0x119: {  	v3 =	vadd.s32 v1, v3;
	_ =	sdelay $0x1  }
0x11a: {  	s30 =	simm.s32 $0x14800  }
0x11b: {  	[tilespmem:s30], [sflag:$0x3] =	stream.indirect_vreg.gather [hbm4b:s1+s4], $0x80, v4, vm0, $0xb8;
	[tilespmem:$0x18800] =	vst v63  }
0x11c: {  	s2 =	simm.s32 $0x15800  }
0x11d: {  	[tilespmem:s2], [sflag:$0x3] =	stream.indirect_vreg.gather [hbm4b:s1+s4], $0x80, v3, vm0, $0xb8;
	[tilespmem:$0x18800] =	vst v63  }
0x11e: {  	v3 =	vld [tilespmem:$0x130];
	_ =	sdelay $0x4  }
0x11f: {  	v19 =	vshll.u32 v3, $0x1  }
0x120: {  	v3 =	vand.u32 $0x7, v3;
	v4 =	vand.u32 $0xFFFFFFF0, v19  }
0x121: {  	v3 =	vor.u32 v3, v4  }
0x122: {  	v4 =	vperm.xlane v3, v0;
	_ =	sdelay $0x1  }
0x123: {  	v3 =	vperm.xlane v3, v2;
	v4 =	vadd.s32 v1, v4;
	_ =	sdelay $0x1  }
0x124: {  	v3 =	vadd.s32 v1, v3;
	_ =	sdelay $0x1  }
0x125: {  	s5 =	simm.s32 $0x16800  }
0x126: {  	[tilespmem:s5], [sflag:$0x3] =	stream.indirect_vreg.gather [hbm4b:s1+s4], $0x80, v4, vm0, $0xb8;
	[tilespmem:$0x18800] =	vst v63  }
0x127: {  	s6 =	simm.s32 $0x17800  }
0x128: {  	[tilespmem:s6], [sflag:$0x3] =	stream.indirect_vreg.gather [hbm4b:s1+s4], $0x80, v3, vm0, $0xb8;
	[tilespmem:$0x18800] =	vst v63  }
0x129: {  	v3 =	vld [tilespmem:$0x500];
	_ =	sdelay $0x4  }
0x12a: {  	v20 =	vshll.u32 v3, $0x1  }
0x12b: {  	v3 =	vand.u32 $0x7, v3;
	v4 =	vand.u32 $0xFFFFFFF0, v20  }
0x12c: {  	v3 =	vor.u32 v3, v4  }
0x12d: {  	v4 =	vperm.xlane v3, v0;
	_ =	sdelay $0x1  }
0x12e: {  	v3 =	vperm.xlane v3, v2;
	v4 =	vadd.s32 v1, v4;
	_ =	sdelay $0x1  }
0x12f: {  	v3 =	vadd.s32 v1, v3;
	_ =	sdelay $0x1  }
0x130: {  	s7 =	simm.s32 $0x11000  }
0x131: {  	[tilespmem:s7], [sflag:$0x3] =	stream.indirect_vreg.gather [hbm4b:s3+s4], $0x80, v4, vm0, $0xb8;
	[tilespmem:$0x18800] =	vst v63  }
0x132: {  	s11 =	simm.s32 $0x12000  }
0x133: {  	[tilespmem:s11], [sflag:$0x3] =	stream.indirect_vreg.gather [hbm4b:s3+s4], $0x80, v3, vm0, $0xb8;
	[tilespmem:$0x18800] =	vst v63  }
0x134: {  	v3 =	vld [tilespmem:$0x510];
	_ =	sdelay $0x4  }
0x135: {  	v21 =	vshll.u32 v3, $0x1  }
0x136: {  	v3 =	vand.u32 $0x7, v3;
	v4 =	vand.u32 $0xFFFFFFF0, v21  }
0x137: {  	v3 =	vor.u32 v3, v4  }
0x138: {  	v4 =	vperm.xlane v3, v0;
	_ =	sdelay $0x1  }
0x139: {  	v3 =	vperm.xlane v3, v2;
	v4 =	vadd.s32 v1, v4;
	_ =	sdelay $0x1  }
0x13a: {  	v3 =	vadd.s32 v1, v3;
	_ =	sdelay $0x1  }
0x13b: {  	s12 =	simm.s32 $0x13000  }
0x13c: {  	[tilespmem:s12], [sflag:$0x3] =	stream.indirect_vreg.gather [hbm4b:s3+s4], $0x80, v4, vm0, $0xb8;
	[tilespmem:$0x18800] =	vst v63  }
0x13d: {  	s19 =	simm.s32 $0x14000  }
0x13e: {  	[tilespmem:s19], [sflag:$0x3] =	stream.indirect_vreg.gather [hbm4b:s3+s4], $0x80, v3, vm0, $0xb8;
	[tilespmem:$0x18800] =	vst v63  }
0x13f: {  	v3 =	vld [tilespmem:$0x520];
	_ =	sdelay $0x4  }
0x140: {  	v22 =	vshll.u32 v3, $0x1  }
0x141: {  	v3 =	vand.u32 $0x7, v3;
	v4 =	vand.u32 $0xFFFFFFF0, v22  }
0x142: {  	v3 =	vor.u32 v3, v4  }
0x143: {  	v4 =	vperm.xlane v3, v0;
	_ =	sdelay $0x1  }
0x144: {  	v3 =	vperm.xlane v3, v2;
	v4 =	vadd.s32 v1, v4;
	_ =	sdelay $0x1  }
0x145: {  	v3 =	vadd.s32 v1, v3;
	_ =	sdelay $0x1  }
0x146: {  	s22 =	simm.s32 $0x15000  }
0x147: {  	[tilespmem:s22], [sflag:$0x3] =	stream.indirect_vreg.gather [hbm4b:s3+s4], $0x80, v4, vm0, $0xb8;
	[tilespmem:$0x18800] =	vst v63  }
0x148: {  	s26 =	simm.s32 $0x16000  }
0x149: {  	[tilespmem:s26], [sflag:$0x3] =	stream.indirect_vreg.gather [hbm4b:s3+s4], $0x80, v3, vm0, $0xb8;
	[tilespmem:$0x18800] =	vst v63  }
0x14a: {  	v3 =	vld [tilespmem:$0x530];
	_ =	sdelay $0x4  }
0x14b: {  	v23 =	vshll.u32 v3, $0x1  }
0x14c: {  	v3 =	vand.u32 $0x7, v3;
	v4 =	vand.u32 $0xFFFFFFF0, v23  }
0x14d: {  	v3 =	vor.u32 v3, v4  }
0x14e: {  	v4 =	vperm.xlane v3, v0;
	_ =	sdelay $0x1  }
0x14f: {  	v3 =	vperm.xlane v3, v2;
	v4 =	vadd.s32 v1, v4;
	_ =	sdelay $0x1  }
0x150: {  	v3 =	vadd.s32 v1, v3;
	_ =	sdelay $0x1  }
0x151: {  	s29 =	simm.s32 $0x17000  }
0x152: {  	[tilespmem:s29], [sflag:$0x3] =	stream.indirect_vreg.gather [hbm4b:s3+s4], $0x80, v4, vm0, $0xb8;
	[tilespmem:$0x18800] =	vst v63  }
0x153: {  	s30 =	simm.s32 $0x18000  }
0x154: {  	[tilespmem:s30], [sflag:$0x3] =	stream.indirect_vreg.gather [hbm4b:s3+s4], $0x80, v3, vm0, $0xb8;
	[tilespmem:$0x18800] =	vst v63  }
0x155: {  	_ =	swait.ge [sflag:s24], $0x4000  }
0x156: {  	[sflag:s24] =	ssyncset.done $0x0  }
0x157: {  	s11 =	simm.s32 $0x8800;
	s2 =	rddreg [dreg:$0xa];
	[sflag:s24] =	ssyncadd.s32 $0xFFFFC000  }
0x158: {  	[hbm4b:s2+s4] =	stream.linear.scatter [tilespmem:s11], [sflag:$0x5], $0x800, $0x38;
	[tilespmem:$0x18800] =	vst v63  }
0x159: {  	s12 =	simm.s32 $0x9800;
	s0 =	sadd.s32 $0x200, s2  }
0x15a: {  	[hbm4b:s0+s4] =	stream.linear.scatter [tilespmem:s12], [sflag:$0x5], $0x800, $0x38;
	[tilespmem:$0x18800] =	vst v63  }
0x15b: {  	s19 =	simm.s32 $0xA800;
	s5 =	sadd.s32 $0x400, s2  }
0x15c: {  	[hbm4b:s5+s4] =	stream.linear.scatter [tilespmem:s19], [sflag:$0x5], $0x800, $0x38;
	[tilespmem:$0x18800] =	vst v63  }
0x15d: {  	s22 =	simm.s32 $0xB800;
	s7 =	sadd.s32 $0x600, s2  }
0x15e: {  	[hbm4b:s7+s4] =	stream.linear.scatter [tilespmem:s22], [sflag:$0x5], $0x800, $0x38;
	[tilespmem:$0x18800] =	vst v63  }
0x15f: {  	s29 =	simm.s32 $0xC800;
	s26 =	sadd.s32 $0x800, s2  }
0x160: {  	[hbm4b:s26+s4] =	stream.linear.scatter [tilespmem:s29], [sflag:$0x5], $0x800, $0x38;
	[tilespmem:$0x18800] =	vst v63  }
0x161: {  	s0 =	sadd.s32 $0xA00, s2;
	s5 =	simm.s32 $0xD800  }
0x162: {  	[hbm4b:s0+s4] =	stream.linear.scatter [tilespmem:s5], [sflag:$0x5], $0x800, $0x38;
	[tilespmem:$0x18800] =	vst v63  }
0x163: {  	s7 =	sadd.s32 $0xC00, s2;
	s26 =	simm.s32 $0xE800  }
0x164: {  	[hbm4b:s7+s4] =	stream.linear.scatter [tilespmem:s26], [sflag:$0x5], $0x800, $0x38;
	[tilespmem:$0x18800] =	vst v63  }
0x165: {  	s29 =	sadd.s32 $0xE00, s2;
	s7 =	simm.s32 $0xF800  }
0x166: {  	[hbm4b:s29+s4] =	stream.linear.scatter [tilespmem:s7], [sflag:$0x5], $0x800, $0x38;
	[tilespmem:$0x18800] =	vst v63  }
0x167: {  	_ =	swait.ge [sflag:s24], $0x4000  }
0x168: {  	[sflag:s24] =	ssyncset.done $0x0  }
0x169: {  	s30 =	simm.s32 $0x9000;
	s2 =	rddreg [dreg:$0xb];
	[sflag:s24] =	ssyncadd.s32 $0xFFFFC000  }
0x16a: {  	[hbm4b:s2+s4] =	stream.linear.scatter [tilespmem:s30], [sflag:$0x5], $0x800, $0x38;
	[tilespmem:$0x18800] =	vst v63  }
0x16b: {  	s29 =	simm.s32 $0xA000;
	s5 =	sadd.s32 $0x200, s2  }
0x16c: {  	[hbm4b:s5+s4] =	stream.linear.scatter [tilespmem:s29], [sflag:$0x5], $0x800, $0x38;
	[tilespmem:$0x18800] =	vst v63  }
0x16d: {  	s17 =	simm.s32 $0xB000;
	s5 =	sadd.s32 $0x400, s2  }
0x16e: {  	[hbm4b:s5+s4] =	stream.linear.scatter [tilespmem:s17], [sflag:$0x5], $0x800, $0x38;
	[tilespmem:$0x18800] =	vst v63  }
0x16f: {  	s18 =	simm.s32 $0xC000;
	s29 =	sadd.s32 $0x600, s2  }
0x170: {  	[hbm4b:s29+s4] =	stream.linear.scatter [tilespmem:s18], [sflag:$0x5], $0x800, $0x38;
	[tilespmem:$0x18800] =	vst v63  }
0x171: {  	s10 =	simm.s32 $0xD000;
	s0 =	sadd.s32 $0x800, s2  }
0x172: {  	[hbm4b:s0+s4] =	stream.linear.scatter [tilespmem:s10], [sflag:$0x5], $0x800, $0x38;
	[tilespmem:$0x18800] =	vst v63  }
0x173: {  	s13 =	simm.s32 $0xE000;
	s5 =	sadd.s32 $0xA00, s2  }
0x174: {  	[hbm4b:s5+s4] =	stream.linear.scatter [tilespmem:s13], [sflag:$0x5], $0x800, $0x38;
	[tilespmem:$0x18800] =	vst v63  }
0x175: {  	s8 =	simm.s32 $0xF000;
	s10 =	sadd.s32 $0xC00, s2  }
0x176: {  	[hbm4b:s10+s4] =	stream.linear.scatter [tilespmem:s8], [sflag:$0x5], $0x800, $0x38;
	[tilespmem:$0x18800] =	vst v63  }
0x177: {  	s15 =	simm.s32 $0x10000;
	s13 =	sadd.s32 $0xE00, s2  }
0x178: {  	[hbm4b:s13+s4] =	stream.linear.scatter [tilespmem:s15], [sflag:$0x5], $0x800, $0x38;
	[tilespmem:$0x18800] =	vst v63  }
0x179: {  	_ =	swait.ge [sflag:s25], $0x4000  }
0x17a: {  	[sflag:s25] =	ssyncset.done $0x0  }
0x17b: {  	[sflag:s25] =	ssyncadd.s32 $0xFFFFC000  }
0x17c: {  	_ =	swait.ge [sflag:s25], $0x4000  }
0x17d: {  	[sflag:s25] =	ssyncset.done $0x0  }
0x17e: {  	[sflag:s25] =	ssyncadd.s32 $0xFFFFC000  }
0x17f: {  	v3 =	vld [tilespmem:$0x180];
	_ =	sdelay $0x4  }
0x180: {  	v24 =	vshll.u32 v3, $0x1  }
0x181: {  	v3 =	vand.u32 $0x7, v3;
	v4 =	vand.u32 $0xFFFFFFF0, v24  }
0x182: {  	v3 =	vor.u32 v3, v4  }
0x183: {  	v4 =	vperm.xlane v3, v0;
	_ =	sdelay $0x1  }
0x184: {  	v3 =	vperm.xlane v3, v2;
	v4 =	vadd.s32 v1, v4;
	_ =	sdelay $0x1  }
0x185: {  	v3 =	vadd.s32 v1, v3;
	_ =	sdelay $0x1  }
0x186: {  	s16 =	simm.s32 $0x800  }
0x187: {  	[tilespmem:s16], [sflag:$0x1] =	stream.indirect_vreg.gather [hbm4b:s1+s4], $0x80, v4, vm0, $0xb8;
	[tilespmem:$0x18800] =	vst v63  }
0x188: {  	s14 =	simm.s32 $0x1800  }
0x189: {  	[tilespmem:s14], [sflag:$0x1] =	stream.indirect_vreg.gather [hbm4b:s1+s4], $0x80, v3, vm0, $0xb8;
	[tilespmem:$0x18800] =	vst v63  }
0x18a: {  	v3 =	vld [tilespmem:$0x190];
	_ =	sdelay $0x4  }
0x18b: {  	v25 =	vshll.u32 v3, $0x1  }
0x18c: {  	v3 =	vand.u32 $0x7, v3;
	v4 =	vand.u32 $0xFFFFFFF0, v25  }
0x18d: {  	v3 =	vor.u32 v3, v4  }
0x18e: {  	v4 =	vperm.xlane v3, v0;
	_ =	sdelay $0x1  }
0x18f: {  	v3 =	vperm.xlane v3, v2;
	v4 =	vadd.s32 v1, v4;
	_ =	sdelay $0x1  }
0x190: {  	v3 =	vadd.s32 v1, v3;
	_ =	sdelay $0x1  }
0x191: {  	s15 =	simm.s32 $0x2800  }
0x192: {  	[tilespmem:s15], [sflag:$0x1] =	stream.indirect_vreg.gather [hbm4b:s1+s4], $0x80, v4, vm0, $0xb8;
	[tilespmem:$0x18800] =	vst v63  }
0x193: {  	s16 =	simm.s32 $0x3800  }
0x194: {  	[tilespmem:s16], [sflag:$0x1] =	stream.indirect_vreg.gather [hbm4b:s1+s4], $0x80, v3, vm0, $0xb8;
	[tilespmem:$0x18800] =	vst v63  }
0x195: {  	v3 =	vld [tilespmem:$0x1A0];
	_ =	sdelay $0x4  }
0x196: {  	v26 =	vshll.u32 v3, $0x1  }
0x197: {  	v3 =	vand.u32 $0x7, v3;
	v4 =	vand.u32 $0xFFFFFFF0, v26  }
0x198: {  	v3 =	vor.u32 v3, v4  }
0x199: {  	v4 =	vperm.xlane v3, v0;
	_ =	sdelay $0x1  }
0x19a: {  	v3 =	vperm.xlane v3, v2;
	v4 =	vadd.s32 v1, v4;
	_ =	sdelay $0x1  }
0x19b: {  	v3 =	vadd.s32 v1, v3;
	_ =	sdelay $0x1  }
0x19c: {  	s17 =	simm.s32 $0x4800  }
0x19d: {  	[tilespmem:s17], [sflag:$0x1] =	stream.indirect_vreg.gather [hbm4b:s1+s4], $0x80, v4, vm0, $0xb8;
	[tilespmem:$0x18800] =	vst v63  }
0x19e: {  	s18 =	simm.s32 $0x5800  }
0x19f: {  	[tilespmem:s18], [sflag:$0x1] =	stream.indirect_vreg.gather [hbm4b:s1+s4], $0x80, v3, vm0, $0xb8;
	[tilespmem:$0x18800] =	vst v63  }
0x1a0: {  	v3 =	vld [tilespmem:$0x1B0];
	_ =	sdelay $0x4  }
0x1a1: {  	v27 =	vshll.u32 v3, $0x1  }
0x1a2: {  	v3 =	vand.u32 $0x7, v3;
	v4 =	vand.u32 $0xFFFFFFF0, v27  }
0x1a3: {  	v3 =	vor.u32 v3, v4  }
0x1a4: {  	v4 =	vperm.xlane v3, v0;
	_ =	sdelay $0x1  }
0x1a5: {  	v3 =	vperm.xlane v3, v2;
	v4 =	vadd.s32 v1, v4;
	_ =	sdelay $0x1  }
0x1a6: {  	v3 =	vadd.s32 v1, v3;
	_ =	sdelay $0x1  }
0x1a7: {  	s29 =	simm.s32 $0x6800  }
0x1a8: {  	[tilespmem:s29], [sflag:$0x1] =	stream.indirect_vreg.gather [hbm4b:s1+s4], $0x80, v4, vm0, $0xb8;
	[tilespmem:$0x18800] =	vst v63  }
0x1a9: {  	s9 =	simm.s32 $0x7800  }
0x1aa: {  	[tilespmem:s9], [sflag:$0x1] =	stream.indirect_vreg.gather [hbm4b:s1+s4], $0x80, v3, vm0, $0xb8;
	[tilespmem:$0x18800] =	vst v63  }
0x1ab: {  	v3 =	vld [tilespmem:$0x580];
	_ =	sdelay $0x4  }
0x1ac: {  	v28 =	vshll.u32 v3, $0x1  }
0x1ad: {  	v3 =	vand.u32 $0x7, v3;
	v4 =	vand.u32 $0xFFFFFFF0, v28  }
0x1ae: {  	v3 =	vor.u32 v3, v4  }
0x1af: {  	v4 =	vperm.xlane v3, v0;
	_ =	sdelay $0x1  }
0x1b0: {  	v3 =	vperm.xlane v3, v2;
	v4 =	vadd.s32 v1, v4;
	_ =	sdelay $0x1  }
0x1b1: {  	v3 =	vadd.s32 v1, v3;
	_ =	sdelay $0x1  }
0x1b2: {  	s5 =	simm.s32 $0x1000  }
0x1b3: {  	[tilespmem:s5], [sflag:$0x1] =	stream.indirect_vreg.gather [hbm4b:s3+s4], $0x80, v4, vm0, $0xb8;
	[tilespmem:$0x18800] =	vst v63  }
0x1b4: {  	s9 =	simm.s32 $0x2000  }
0x1b5: {  	[tilespmem:s9], [sflag:$0x1] =	stream.indirect_vreg.gather [hbm4b:s3+s4], $0x80, v3, vm0, $0xb8;
	[tilespmem:$0x18800] =	vst v63  }
0x1b6: {  	v3 =	vld [tilespmem:$0x590];
	_ =	sdelay $0x4  }
0x1b7: {  	v29 =	vshll.u32 v3, $0x1  }
0x1b8: {  	v3 =	vand.u32 $0x7, v3;
	v4 =	vand.u32 $0xFFFFFFF0, v29  }
0x1b9: {  	v3 =	vor.u32 v3, v4  }
0x1ba: {  	v4 =	vperm.xlane v3, v0;
	_ =	sdelay $0x1  }
0x1bb: {  	v3 =	vperm.xlane v3, v2;
	v4 =	vadd.s32 v1, v4;
	_ =	sdelay $0x1  }
0x1bc: {  	v3 =	vadd.s32 v1, v3;
	_ =	sdelay $0x1  }
0x1bd: {  	s31 =	simm.s32 $0x3000  }
0x1be: {  	[tilespmem:s31], [sflag:$0x1] =	stream.indirect_vreg.gather [hbm4b:s3+s4], $0x80, v4, vm0, $0xb8;
	[tilespmem:$0x18800] =	vst v63  }
0x1bf: {  	s14 =	simm.s32 $0x4000  }
0x1c0: {  	[tilespmem:s14], [sflag:$0x1] =	stream.indirect_vreg.gather [hbm4b:s3+s4], $0x80, v3, vm0, $0xb8;
	[tilespmem:$0x18800] =	vst v63  }
0x1c1: {  	v3 =	vld [tilespmem:$0x5A0];
	_ =	sdelay $0x4  }
0x1c2: {  	v30 =	vshll.u32 v3, $0x1  }
0x1c3: {  	v3 =	vand.u32 $0x7, v3;
	v4 =	vand.u32 $0xFFFFFFF0, v30  }
0x1c4: {  	v3 =	vor.u32 v3, v4  }
0x1c5: {  	v4 =	vperm.xlane v3, v0;
	_ =	sdelay $0x1  }
0x1c6: {  	v3 =	vperm.xlane v3, v2;
	v4 =	vadd.s32 v1, v4;
	_ =	sdelay $0x1  }
0x1c7: {  	v3 =	vadd.s32 v1, v3;
	_ =	sdelay $0x1  }
0x1c8: {  	s16 =	simm.s32 $0x5000  }
0x1c9: {  	[tilespmem:s16], [sflag:$0x1] =	stream.indirect_vreg.gather [hbm4b:s3+s4], $0x80, v4, vm0, $0xb8;
	[tilespmem:$0x18800] =	vst v63  }
0x1ca: {  	s15 =	simm.s32 $0x6000  }
0x1cb: {  	[tilespmem:s15], [sflag:$0x1] =	stream.indirect_vreg.gather [hbm4b:s3+s4], $0x80, v3, vm0, $0xb8;
	[tilespmem:$0x18800] =	vst v63  }
0x1cc: {  	v3 =	vld [tilespmem:$0x5B0];
	_ =	sdelay $0x4  }
0x1cd: {  	v31 =	vshll.u32 v3, $0x1  }
0x1ce: {  	v3 =	vand.u32 $0x7, v3;
	v4 =	vand.u32 $0xFFFFFFF0, v31  }
0x1cf: {  	v3 =	vor.u32 v3, v4  }
0x1d0: {  	v4 =	vperm.xlane v3, v0;
	_ =	sdelay $0x1  }
0x1d1: {  	v3 =	vperm.xlane v3, v2;
	v4 =	vadd.s32 v1, v4;
	_ =	sdelay $0x1  }
0x1d2: {  	v3 =	vadd.s32 v1, v3;
	_ =	sdelay $0x1  }
0x1d3: {  	s17 =	simm.s32 $0x7000  }
0x1d4: {  	[tilespmem:s17], [sflag:$0x1] =	stream.indirect_vreg.gather [hbm4b:s3+s4], $0x80, v4, vm0, $0xb8;
	[tilespmem:$0x18800] =	vst v63  }
0x1d5: {  	s20 =	simm.s32 $0x8000;
	s2 =	simm.s32 $0x3  }
0x1d6: {  	[tilespmem:s20], [sflag:$0x1] =	stream.indirect_vreg.gather [hbm4b:s3+s4], $0x80, v3, vm0, $0xb8;
	[tilespmem:$0x18800] =	vst v63  }
0x1d7: {  	_ =	swait.ge [sflag:s2], $0x4000  }
0x1d8: {  	[sflag:s2] =	ssyncset.done $0x0  }
0x1d9: {  	s18 =	simm.s32 $0x10800;
	s10 =	rddreg [dreg:$0xc];
	[sflag:s2] =	ssyncadd.s32 $0xFFFFC000  }
0x1da: {  	[hbm4b:s10+s4] =	stream.linear.scatter [tilespmem:s18], [sflag:$0x6], $0x800, $0x38;
	[tilespmem:$0x18800] =	vst v63  }
0x1db: {  	s31 =	simm.s32 $0x11800;
	s20 =	sadd.s32 $0x200, s10  }
0x1dc: {  	[hbm4b:s20+s4] =	stream.linear.scatter [tilespmem:s31], [sflag:$0x6], $0x800, $0x38;
	[tilespmem:$0x18800] =	vst v63  }
0x1dd: {  	s0 =	simm.s32 $0x12800;
	s8 =	sadd.s32 $0x400, s10  }
0x1de: {  	[hbm4b:s8+s4] =	stream.linear.scatter [tilespmem:s0], [sflag:$0x6], $0x800, $0x38;
	[tilespmem:$0x18800] =	vst v63  }
0x1df: {  	s20 =	sadd.s32 $0x600, s10;
	s31 =	simm.s32 $0x13800  }
0x1e0: {  	[hbm4b:s20+s4] =	stream.linear.scatter [tilespmem:s31], [sflag:$0x6], $0x800, $0x38;
	[tilespmem:$0x18800] =	vst v63  }
0x1e1: {  	s20 =	sadd.s32 $0x800, s10;
	s31 =	simm.s32 $0x14800  }
0x1e2: {  	[hbm4b:s20+s4] =	stream.linear.scatter [tilespmem:s31], [sflag:$0x6], $0x800, $0x38;
	[tilespmem:$0x18800] =	vst v63  }
0x1e3: {  	s21 =	simm.s32 $0x15800;
	s8 =	sadd.s32 $0xA00, s10  }
0x1e4: {  	[hbm4b:s8+s4] =	stream.linear.scatter [tilespmem:s21], [sflag:$0x6], $0x800, $0x38;
	[tilespmem:$0x18800] =	vst v63  }
0x1e5: {  	s20 =	sadd.s32 $0xC00, s10;
	s21 =	simm.s32 $0x16800  }
0x1e6: {  	[hbm4b:s20+s4] =	stream.linear.scatter [tilespmem:s21], [sflag:$0x6], $0x800, $0x38;
	[tilespmem:$0x18800] =	vst v63  }
0x1e7: {  	s20 =	sadd.s32 $0xE00, s10;
	s21 =	simm.s32 $0x17800  }
0x1e8: {  	[hbm4b:s20+s4] =	stream.linear.scatter [tilespmem:s21], [sflag:$0x6], $0x800, $0x38;
	[tilespmem:$0x18800] =	vst v63  }
0x1e9: {  	_ =	swait.ge [sflag:s2], $0x4000  }
0x1ea: {  	[sflag:s2] =	ssyncset.done $0x0  }
0x1eb: {  	s30 =	simm.s32 $0x11000;
	s8 =	rddreg [dreg:$0xd];
	[sflag:s2] =	ssyncadd.s32 $0xFFFFC000  }
0x1ec: {  	[hbm4b:s8+s4] =	stream.linear.scatter [tilespmem:s30], [sflag:$0x6], $0x800, $0x38;
	[tilespmem:$0x18800] =	vst v63  }
0x1ed: {  	s20 =	simm.s32 $0x12000;
	s10 =	sadd.s32 $0x200, s8  }
0x1ee: {  	[hbm4b:s10+s4] =	stream.linear.scatter [tilespmem:s20], [sflag:$0x6], $0x800, $0x38;
	[tilespmem:$0x18800] =	vst v63  }
0x1ef: {  	s10 =	sadd.s32 $0x400, s8;
	s20 =	simm.s32 $0x13000  }
0x1f0: {  	[hbm4b:s10+s4] =	stream.linear.scatter [tilespmem:s20], [sflag:$0x6], $0x800, $0x38;
	[tilespmem:$0x18800] =	vst v63  }
0x1f1: {  	s10 =	sadd.s32 $0x600, s8;
	s20 =	simm.s32 $0x14000  }
0x1f2: {  	[hbm4b:s10+s4] =	stream.linear.scatter [tilespmem:s20], [sflag:$0x6], $0x800, $0x38;
	[tilespmem:$0x18800] =	vst v63  }
0x1f3: {  	s10 =	sadd.s32 $0x800, s8;
	s20 =	simm.s32 $0x15000  }
0x1f4: {  	[hbm4b:s10+s4] =	stream.linear.scatter [tilespmem:s20], [sflag:$0x6], $0x800, $0x38;
	[tilespmem:$0x18800] =	vst v63  }
0x1f5: {  	s10 =	sadd.s32 $0xA00, s8;
	s20 =	simm.s32 $0x16000  }
0x1f6: {  	[hbm4b:s10+s4] =	stream.linear.scatter [tilespmem:s20], [sflag:$0x6], $0x800, $0x38;
	[tilespmem:$0x18800] =	vst v63  }
0x1f7: {  	s6 =	simm.s32 $0x17000;
	s20 =	sadd.s32 $0xC00, s8  }
0x1f8: {  	[hbm4b:s20+s4] =	stream.linear.scatter [tilespmem:s6], [sflag:$0x6], $0x800, $0x38;
	[tilespmem:$0x18800] =	vst v63  }
0x1f9: {  	s8 =	sadd.s32 $0xE00, s8;
	s10 =	simm.s32 $0x18000  }
0x1fa: {  	[hbm4b:s8+s4] =	stream.linear.scatter [tilespmem:s10], [sflag:$0x6], $0x800, $0x38;
	[tilespmem:$0x18800] =	vst v63  }
0x1fb: {  	_ =	swait.ge [sflag:s28], $0x4000  }
0x1fc: {  	[sflag:s28] =	ssyncset.done $0x0  }
0x1fd: {  	[sflag:s28] =	ssyncadd.s32 $0xFFFFC000  }
0x1fe: {  	_ =	swait.ge [sflag:s28], $0x4000  }
0x1ff: {  	[sflag:s28] =	ssyncset.done $0x0  }
0x200: {  	[sflag:s28] =	ssyncadd.s32 $0xFFFFC000  }
0x201: {  	v3 =	vld [tilespmem:$0x200];
	_ =	sdelay $0x4  }
0x202: {  	v32 =	vshll.u32 v3, $0x1  }
0x203: {  	v3 =	vand.u32 $0x7, v3;
	v4 =	vand.u32 $0xFFFFFFF0, v32  }
0x204: {  	v3 =	vor.u32 v3, v4  }
0x205: {  	v4 =	vperm.xlane v3, v0;
	_ =	sdelay $0x1  }
0x206: {  	v3 =	vperm.xlane v3, v2;
	v4 =	vadd.s32 v1, v4;
	_ =	sdelay $0x1  }
0x207: {  	v3 =	vadd.s32 v1, v3;
	_ =	sdelay $0x2  }
0x208: {  	[tilespmem:s11], [sflag:$0x2] =	stream.indirect_vreg.gather [hbm4b:s1+s4], $0x80, v4, vm0, $0xb8;
	[tilespmem:$0x18800] =	vst v63  }
0x209: {  	_ = 	snop  }
0x20a: {  	[tilespmem:s12], [sflag:$0x2] =	stream.indirect_vreg.gather [hbm4b:s1+s4], $0x80, v3, vm0, $0xb8;
	[tilespmem:$0x18800] =	vst v63  }
0x20b: {  	v3 =	vld [tilespmem:$0x210];
	_ =	sdelay $0x4  }
0x20c: {  	v33 =	vshll.u32 v3, $0x1  }
0x20d: {  	v3 =	vand.u32 $0x7, v3;
	v4 =	vand.u32 $0xFFFFFFF0, v33  }
0x20e: {  	v3 =	vor.u32 v3, v4  }
0x20f: {  	v4 =	vperm.xlane v3, v0;
	_ =	sdelay $0x1  }
0x210: {  	v3 =	vperm.xlane v3, v2;
	v4 =	vadd.s32 v1, v4;
	_ =	sdelay $0x1  }
0x211: {  	v3 =	vadd.s32 v1, v3;
	_ =	sdelay $0x2  }
0x212: {  	[tilespmem:s19], [sflag:$0x2] =	stream.indirect_vreg.gather [hbm4b:s1+s4], $0x80, v4, vm0, $0xb8;
	[tilespmem:$0x18800] =	vst v63  }
0x213: {  	_ = 	snop  }
0x214: {  	[tilespmem:s22], [sflag:$0x2] =	stream.indirect_vreg.gather [hbm4b:s1+s4], $0x80, v3, vm0, $0xb8;
	[tilespmem:$0x18800] =	vst v63  }
0x215: {  	v3 =	vld [tilespmem:$0x220];
	_ =	sdelay $0x4  }
0x216: {  	v34 =	vshll.u32 v3, $0x1  }
0x217: {  	v3 =	vand.u32 $0x7, v3;
	v4 =	vand.u32 $0xFFFFFFF0, v34  }
0x218: {  	v3 =	vor.u32 v3, v4  }
0x219: {  	v4 =	vperm.xlane v3, v0;
	_ =	sdelay $0x1  }
0x21a: {  	v3 =	vperm.xlane v3, v2;
	v4 =	vadd.s32 v1, v4;
	_ =	sdelay $0x1  }
0x21b: {  	v3 =	vadd.s32 v1, v3;
	_ =	sdelay $0x1  }
0x21c: {  	s11 =	simm.s32 $0xC800  }
0x21d: {  	[tilespmem:s11], [sflag:$0x2] =	stream.indirect_vreg.gather [hbm4b:s1+s4], $0x80, v4, vm0, $0xb8;
	[tilespmem:$0x18800] =	vst v63  }
0x21e: {  	s12 =	simm.s32 $0xD800  }
0x21f: {  	[tilespmem:s12], [sflag:$0x2] =	stream.indirect_vreg.gather [hbm4b:s1+s4], $0x80, v3, vm0, $0xb8;
	[tilespmem:$0x18800] =	vst v63  }
0x220: {  	v3 =	vld [tilespmem:$0x230];
	_ =	sdelay $0x4  }
0x221: {  	v35 =	vshll.u32 v3, $0x1  }
0x222: {  	v3 =	vand.u32 $0x7, v3;
	v4 =	vand.u32 $0xFFFFFFF0, v35  }
0x223: {  	v3 =	vor.u32 v3, v4  }
0x224: {  	v4 =	vperm.xlane v3, v0;
	_ =	sdelay $0x1  }
0x225: {  	v3 =	vperm.xlane v3, v2;
	v4 =	vadd.s32 v1, v4;
	_ =	sdelay $0x1  }
0x226: {  	v3 =	vadd.s32 v1, v3;
	_ =	sdelay $0x2  }
0x227: {  	[tilespmem:s26], [sflag:$0x2] =	stream.indirect_vreg.gather [hbm4b:s1+s4], $0x80, v4, vm0, $0xb8;
	[tilespmem:$0x18800] =	vst v63  }
0x228: {  	_ = 	snop  }
0x229: {  	[tilespmem:s7], [sflag:$0x2] =	stream.indirect_vreg.gather [hbm4b:s1+s4], $0x80, v3, vm0, $0xb8;
	[tilespmem:$0x18800] =	vst v63  }
0x22a: {  	v3 =	vld [tilespmem:$0x600];
	_ =	sdelay $0x4  }
0x22b: {  	v36 =	vshll.u32 v3, $0x1  }
0x22c: {  	v3 =	vand.u32 $0x7, v3;
	v4 =	vand.u32 $0xFFFFFFF0, v36  }
0x22d: {  	v3 =	vor.u32 v3, v4  }
0x22e: {  	v4 =	vperm.xlane v3, v0;
	_ =	sdelay $0x1  }
0x22f: {  	v3 =	vperm.xlane v3, v2;
	v4 =	vadd.s32 v1, v4;
	_ =	sdelay $0x1  }
0x230: {  	v3 =	vadd.s32 v1, v3;
	_ =	sdelay $0x1  }
0x231: {  	s19 =	simm.s32 $0x9000  }
0x232: {  	[tilespmem:s19], [sflag:$0x2] =	stream.indirect_vreg.gather [hbm4b:s3+s4], $0x80, v4, vm0, $0xb8;
	[tilespmem:$0x18800] =	vst v63  }
0x233: {  	s20 =	simm.s32 $0xA000  }
0x234: {  	[tilespmem:s20], [sflag:$0x2] =	stream.indirect_vreg.gather [hbm4b:s3+s4], $0x80, v3, vm0, $0xb8;
	[tilespmem:$0x18800] =	vst v63  }
0x235: {  	v3 =	vld [tilespmem:$0x610];
	_ =	sdelay $0x4  }
0x236: {  	v37 =	vshll.u32 v3, $0x1  }
0x237: {  	v3 =	vand.u32 $0x7, v3;
	v4 =	vand.u32 $0xFFFFFFF0, v37  }
0x238: {  	v3 =	vor.u32 v3, v4  }
0x239: {  	v4 =	vperm.xlane v3, v0;
	_ =	sdelay $0x1  }
0x23a: {  	v3 =	vperm.xlane v3, v2;
	v4 =	vadd.s32 v1, v4;
	_ =	sdelay $0x1  }
0x23b: {  	v3 =	vadd.s32 v1, v3;
	_ =	sdelay $0x1  }
0x23c: {  	s7 =	simm.s32 $0xB000  }
0x23d: {  	[tilespmem:s7], [sflag:$0x2] =	stream.indirect_vreg.gather [hbm4b:s3+s4], $0x80, v4, vm0, $0xb8;
	[tilespmem:$0x18800] =	vst v63  }
0x23e: {  	s22 =	simm.s32 $0xC000  }
0x23f: {  	[tilespmem:s22], [sflag:$0x2] =	stream.indirect_vreg.gather [hbm4b:s3+s4], $0x80, v3, vm0, $0xb8;
	[tilespmem:$0x18800] =	vst v63  }
0x240: {  	v3 =	vld [tilespmem:$0x620];
	_ =	sdelay $0x4  }
0x241: {  	v38 =	vshll.u32 v3, $0x1  }
0x242: {  	v3 =	vand.u32 $0x7, v3;
	v4 =	vand.u32 $0xFFFFFFF0, v38  }
0x243: {  	v3 =	vor.u32 v3, v4  }
0x244: {  	v4 =	vperm.xlane v3, v0;
	_ =	sdelay $0x1  }
0x245: {  	v3 =	vperm.xlane v3, v2;
	v4 =	vadd.s32 v1, v4;
	_ =	sdelay $0x1  }
0x246: {  	v3 =	vadd.s32 v1, v3;
	_ =	sdelay $0x1  }
0x247: {  	s20 =	simm.s32 $0xD000  }
0x248: {  	[tilespmem:s20], [sflag:$0x2] =	stream.indirect_vreg.gather [hbm4b:s3+s4], $0x80, v4, vm0, $0xb8;
	[tilespmem:$0x18800] =	vst v63  }
0x249: {  	s10 =	simm.s32 $0xE000  }
0x24a: {  	[tilespmem:s10], [sflag:$0x2] =	stream.indirect_vreg.gather [hbm4b:s3+s4], $0x80, v3, vm0, $0xb8;
	[tilespmem:$0x18800] =	vst v63  }
0x24b: {  	v3 =	vld [tilespmem:$0x630];
	_ =	sdelay $0x4  }
0x24c: {  	v39 =	vshll.u32 v3, $0x1  }
0x24d: {  	v3 =	vand.u32 $0x7, v3;
	v4 =	vand.u32 $0xFFFFFFF0, v39  }
0x24e: {  	v3 =	vor.u32 v3, v4  }
0x24f: {  	v4 =	vperm.xlane v3, v0;
	_ =	sdelay $0x1  }
0x250: {  	v3 =	vperm.xlane v3, v2;
	v4 =	vadd.s32 v1, v4;
	_ =	sdelay $0x1  }
0x251: {  	v3 =	vadd.s32 v1, v3;
	_ =	sdelay $0x1  }
0x252: {  	s6 =	simm.s32 $0xF000  }
0x253: {  	[tilespmem:s6], [sflag:$0x2] =	stream.indirect_vreg.gather [hbm4b:s3+s4], $0x80, v4, vm0, $0xb8;
	[tilespmem:$0x18800] =	vst v63  }
0x254: {  	s8 =	simm.s32 $0x10000  }
0x255: {  	[tilespmem:s8], [sflag:$0x2] =	stream.indirect_vreg.gather [hbm4b:s3+s4], $0x80, v3, vm0, $0xb8;
	[tilespmem:$0x18800] =	vst v63  }
0x256: {  	_ =	swait.ge [sflag:s23], $0x4000  }
0x257: {  	[sflag:s23] =	ssyncset.done $0x0  }
0x258: {  	s12 =	simm.s32 $0x800;
	s11 =	rddreg [dreg:$0xe];
	[sflag:s23] =	ssyncadd.s32 $0xFFFFC000  }
0x259: {  	[hbm4b:s11+s4] =	stream.linear.scatter [tilespmem:s12], [sflag:$0x4], $0x800, $0x38;
	[tilespmem:$0x18800] =	vst v63  }
0x25a: {  	s13 =	simm.s32 $0x1800;
	s26 =	sadd.s32 $0x200, s11  }
0x25b: {  	[hbm4b:s26+s4] =	stream.linear.scatter [tilespmem:s13], [sflag:$0x4], $0x800, $0x38;
	[tilespmem:$0x18800] =	vst v63  }
0x25c: {  	s19 =	sadd.s32 $0x400, s11;
	s26 =	simm.s32 $0x2800  }
0x25d: {  	[hbm4b:s19+s4] =	stream.linear.scatter [tilespmem:s26], [sflag:$0x4], $0x800, $0x38;
	[tilespmem:$0x18800] =	vst v63  }
0x25e: {  	s22 =	sadd.s32 $0x600, s11;
	s13 =	simm.s32 $0x3800  }
0x25f: {  	[hbm4b:s22+s4] =	stream.linear.scatter [tilespmem:s13], [sflag:$0x4], $0x800, $0x38;
	[tilespmem:$0x18800] =	vst v63  }
0x260: {  	s19 =	sadd.s32 $0x800, s11;
	s22 =	simm.s32 $0x4800  }
0x261: {  	[hbm4b:s19+s4] =	stream.linear.scatter [tilespmem:s22], [sflag:$0x4], $0x800, $0x38;
	[tilespmem:$0x18800] =	vst v63  }
0x262: {  	s19 =	sadd.s32 $0xA00, s11;
	s22 =	simm.s32 $0x5800  }
0x263: {  	[hbm4b:s19+s4] =	stream.linear.scatter [tilespmem:s22], [sflag:$0x4], $0x800, $0x38;
	[tilespmem:$0x18800] =	vst v63  }
0x264: {  	s19 =	sadd.s32 $0xC00, s11  }
0x265: {  	[hbm4b:s19+s4] =	stream.linear.scatter [tilespmem:s29], [sflag:$0x4], $0x800, $0x38;
	[tilespmem:$0x18800] =	vst v63  }
0x266: {  	s19 =	sadd.s32 $0xE00, s11;
	s29 =	simm.s32 $0x7800  }
0x267: {  	[hbm4b:s19+s4] =	stream.linear.scatter [tilespmem:s29], [sflag:$0x4], $0x800, $0x38;
	[tilespmem:$0x18800] =	vst v63  }
0x268: {  	_ =	swait.ge [sflag:s23], $0x4000  }
0x269: {  	[sflag:s23] =	ssyncset.done $0x0  }
0x26a: {  	s29 =	rddreg [dreg:$0xf];
	[sflag:s23] =	ssyncadd.s32 $0xFFFFC000  }
0x26b: {  	[hbm4b:s29+s4] =	stream.linear.scatter [tilespmem:s5], [sflag:$0x4], $0x800, $0x38;
	[tilespmem:$0x18800] =	vst v63  }
0x26c: {  	s19 =	sadd.s32 $0x200, s29  }
0x26d: {  	[hbm4b:s19+s4] =	stream.linear.scatter [tilespmem:s9], [sflag:$0x4], $0x800, $0x38;
	[tilespmem:$0x18800] =	vst v63  }
0x26e: {  	s5 =	sadd.s32 $0x400, s29;
	s9 =	simm.s32 $0x3000  }
0x26f: {  	[hbm4b:s5+s4] =	stream.linear.scatter [tilespmem:s9], [sflag:$0x4], $0x800, $0x38;
	[tilespmem:$0x18800] =	vst v63  }
0x270: {  	s11 =	sadd.s32 $0x600, s29  }
0x271: {  	[hbm4b:s11+s4] =	stream.linear.scatter [tilespmem:s14], [sflag:$0x4], $0x800, $0x38;
	[tilespmem:$0x18800] =	vst v63  }
0x272: {  	s19 =	sadd.s32 $0x800, s29  }
0x273: {  	[hbm4b:s19+s4] =	stream.linear.scatter [tilespmem:s16], [sflag:$0x4], $0x800, $0x38;
	[tilespmem:$0x18800] =	vst v63  }
0x274: {  	s5 =	sadd.s32 $0xA00, s29  }
0x275: {  	[hbm4b:s5+s4] =	stream.linear.scatter [tilespmem:s15], [sflag:$0x4], $0x800, $0x38;
	[tilespmem:$0x18800] =	vst v63  }
0x276: {  	s9 =	sadd.s32 $0xC00, s29  }
0x277: {  	[hbm4b:s9+s4] =	stream.linear.scatter [tilespmem:s17], [sflag:$0x4], $0x800, $0x38;
	[tilespmem:$0x18800] =	vst v63  }
0x278: {  	s11 =	sadd.s32 $0xE00, s29;
	s29 =	simm.s32 $0x6;
	s15 =	simm.s32 $0x8000  }
0x279: {  	[hbm4b:s11+s4] =	stream.linear.scatter [tilespmem:s15], [sflag:$0x4], $0x800, $0x38;
	[tilespmem:$0x18800] =	vst v63  }
0x27a: {  	_ =	swait.ge [sflag:s29], $0x4000  }
0x27b: {  	[sflag:s29] =	ssyncset.done $0x0  }
0x27c: {  	[sflag:s29] =	ssyncadd.s32 $0xFFFFC000  }
0x27d: {  	_ =	swait.ge [sflag:s29], $0x4000  }
0x27e: {  	[sflag:s29] =	ssyncset.done $0x0  }
0x27f: {  	[sflag:s29] =	ssyncadd.s32 $0xFFFFC000  }
0x280: {  	v3 =	vld [tilespmem:$0x280];
	_ =	sdelay $0x4  }
0x281: {  	v40 =	vshll.u32 v3, $0x1  }
0x282: {  	v3 =	vand.u32 $0x7, v3;
	v4 =	vand.u32 $0xFFFFFFF0, v40  }
0x283: {  	v3 =	vor.u32 v3, v4  }
0x284: {  	v4 =	vperm.xlane v3, v0;
	_ =	sdelay $0x1  }
0x285: {  	v3 =	vperm.xlane v3, v2;
	v4 =	vadd.s32 v1, v4;
	_ =	sdelay $0x1  }
0x286: {  	v3 =	vadd.s32 v1, v3;
	_ =	sdelay $0x2  }
0x287: {  	[tilespmem:s18], [sflag:$0x3] =	stream.indirect_vreg.gather [hbm4b:s1+s4], $0x80, v4, vm0, $0xb8;
	[tilespmem:$0x18800] =	vst v63  }
0x288: {  	s14 =	simm.s32 $0x11800  }
0x289: {  	[tilespmem:s14], [sflag:$0x3] =	stream.indirect_vreg.gather [hbm4b:s1+s4], $0x80, v3, vm0, $0xb8;
	[tilespmem:$0x18800] =	vst v63  }
0x28a: {  	v3 =	vld [tilespmem:$0x290];
	_ =	sdelay $0x4  }
0x28b: {  	v41 =	vshll.u32 v3, $0x1  }
0x28c: {  	v3 =	vand.u32 $0x7, v3;
	v4 =	vand.u32 $0xFFFFFFF0, v41  }
0x28d: {  	v3 =	vor.u32 v3, v4  }
0x28e: {  	v4 =	vperm.xlane v3, v0;
	_ =	sdelay $0x1  }
0x28f: {  	v3 =	vperm.xlane v3, v2;
	v4 =	vadd.s32 v1, v4;
	_ =	sdelay $0x1  }
0x290: {  	v3 =	vadd.s32 v1, v3;
	_ =	sdelay $0x2  }
0x291: {  	[tilespmem:s0], [sflag:$0x3] =	stream.indirect_vreg.gather [hbm4b:s1+s4], $0x80, v4, vm0, $0xb8;
	[tilespmem:$0x18800] =	vst v63  }
0x292: {  	s16 =	simm.s32 $0x13800  }
0x293: {  	[tilespmem:s16], [sflag:$0x3] =	stream.indirect_vreg.gather [hbm4b:s1+s4], $0x80, v3, vm0, $0xb8;
	[tilespmem:$0x18800] =	vst v63  }
0x294: {  	v3 =	vld [tilespmem:$0x2A0];
	_ =	sdelay $0x4  }
0x295: {  	v42 =	vshll.u32 v3, $0x1  }
0x296: {  	v3 =	vand.u32 $0x7, v3;
	v4 =	vand.u32 $0xFFFFFFF0, v42  }
0x297: {  	v3 =	vor.u32 v3, v4  }
0x298: {  	v4 =	vperm.xlane v3, v0;
	_ =	sdelay $0x1  }
0x299: {  	v3 =	vperm.xlane v3, v2;
	v4 =	vadd.s32 v1, v4;
	_ =	sdelay $0x1  }
0x29a: {  	v3 =	vadd.s32 v1, v3;
	_ =	sdelay $0x2  }
0x29b: {  	[tilespmem:s31], [sflag:$0x3] =	stream.indirect_vreg.gather [hbm4b:s1+s4], $0x80, v4, vm0, $0xb8;
	[tilespmem:$0x18800] =	vst v63  }
0x29c: {  	s17 =	simm.s32 $0x15800  }
0x29d: {  	[tilespmem:s17], [sflag:$0x3] =	stream.indirect_vreg.gather [hbm4b:s1+s4], $0x80, v3, vm0, $0xb8;
	[tilespmem:$0x18800] =	vst v63  }
0x29e: {  	v3 =	vld [tilespmem:$0x2B0];
	_ =	sdelay $0x4  }
0x29f: {  	v43 =	vshll.u32 v3, $0x1  }
0x2a0: {  	v3 =	vand.u32 $0x7, v3;
	v4 =	vand.u32 $0xFFFFFFF0, v43  }
0x2a1: {  	v3 =	vor.u32 v3, v4  }
0x2a2: {  	v4 =	vperm.xlane v3, v0;
	_ =	sdelay $0x1  }
0x2a3: {  	v3 =	vperm.xlane v3, v2;
	v4 =	vadd.s32 v1, v4;
	_ =	sdelay $0x1  }
0x2a4: {  	v3 =	vadd.s32 v1, v3;
	_ =	sdelay $0x1  }
0x2a5: {  	s18 =	simm.s32 $0x16800  }
0x2a6: {  	[tilespmem:s18], [sflag:$0x3] =	stream.indirect_vreg.gather [hbm4b:s1+s4], $0x80, v4, vm0, $0xb8;
	[tilespmem:$0x18800] =	vst v63  }
0x2a7: {  	_ = 	snop  }
0x2a8: {  	[tilespmem:s21], [sflag:$0x3] =	stream.indirect_vreg.gather [hbm4b:s1+s4], $0x80, v3, vm0, $0xb8;
	[tilespmem:$0x18800] =	vst v63  }
0x2a9: {  	v3 =	vld [tilespmem:$0x680];
	_ =	sdelay $0x4  }
0x2aa: {  	v44 =	vshll.u32 v3, $0x1  }
0x2ab: {  	v3 =	vand.u32 $0x7, v3;
	v4 =	vand.u32 $0xFFFFFFF0, v44  }
0x2ac: {  	v3 =	vor.u32 v3, v4  }
0x2ad: {  	v4 =	vperm.xlane v3, v0;
	_ =	sdelay $0x1  }
0x2ae: {  	v3 =	vperm.xlane v3, v2;
	v4 =	vadd.s32 v1, v4;
	_ =	sdelay $0x1  }
0x2af: {  	v3 =	vadd.s32 v1, v3;
	_ =	sdelay $0x1  }
0x2b0: {  	s11 =	simm.s32 $0x11000  }
0x2b1: {  	[tilespmem:s11], [sflag:$0x3] =	stream.indirect_vreg.gather [hbm4b:s3+s4], $0x80, v4, vm0, $0xb8;
	[tilespmem:$0x18800] =	vst v63  }
0x2b2: {  	s19 =	simm.s32 $0x12000  }
0x2b3: {  	[tilespmem:s19], [sflag:$0x3] =	stream.indirect_vreg.gather [hbm4b:s3+s4], $0x80, v3, vm0, $0xb8;
	[tilespmem:$0x18800] =	vst v63  }
0x2b4: {  	v3 =	vld [tilespmem:$0x690];
	_ =	sdelay $0x4  }
0x2b5: {  	v45 =	vshll.u32 v3, $0x1  }
0x2b6: {  	v3 =	vand.u32 $0x7, v3;
	v4 =	vand.u32 $0xFFFFFFF0, v45  }
0x2b7: {  	v3 =	vor.u32 v3, v4  }
0x2b8: {  	v4 =	vperm.xlane v3, v0;
	_ =	sdelay $0x1  }
0x2b9: {  	v3 =	vperm.xlane v3, v2;
	v4 =	vadd.s32 v1, v4;
	_ =	sdelay $0x1  }
0x2ba: {  	v3 =	vadd.s32 v1, v3;
	_ =	sdelay $0x1  }
0x2bb: {  	s9 =	simm.s32 $0x13000  }
0x2bc: {  	[tilespmem:s9], [sflag:$0x3] =	stream.indirect_vreg.gather [hbm4b:s3+s4], $0x80, v4, vm0, $0xb8;
	[tilespmem:$0x18800] =	vst v63  }
0x2bd: {  	s21 =	simm.s32 $0x14000  }
0x2be: {  	[tilespmem:s21], [sflag:$0x3] =	stream.indirect_vreg.gather [hbm4b:s3+s4], $0x80, v3, vm0, $0xb8;
	[tilespmem:$0x18800] =	vst v63  }
0x2bf: {  	v3 =	vld [tilespmem:$0x6A0];
	_ =	sdelay $0x4  }
0x2c0: {  	v46 =	vshll.u32 v3, $0x1  }
0x2c1: {  	v3 =	vand.u32 $0x7, v3;
	v4 =	vand.u32 $0xFFFFFFF0, v46  }
0x2c2: {  	v3 =	vor.u32 v3, v4  }
0x2c3: {  	v4 =	vperm.xlane v3, v0;
	_ =	sdelay $0x1  }
0x2c4: {  	v3 =	vperm.xlane v3, v2;
	v4 =	vadd.s32 v1, v4;
	_ =	sdelay $0x1  }
0x2c5: {  	v3 =	vadd.s32 v1, v3;
	_ =	sdelay $0x1  }
0x2c6: {  	s21 =	simm.s32 $0x15000  }
0x2c7: {  	[tilespmem:s21], [sflag:$0x3] =	stream.indirect_vreg.gather [hbm4b:s3+s4], $0x80, v4, vm0, $0xb8;
	[tilespmem:$0x18800] =	vst v63  }
0x2c8: {  	s19 =	simm.s32 $0x16000  }
0x2c9: {  	[tilespmem:s19], [sflag:$0x3] =	stream.indirect_vreg.gather [hbm4b:s3+s4], $0x80, v3, vm0, $0xb8;
	[tilespmem:$0x18800] =	vst v63  }
0x2ca: {  	v3 =	vld [tilespmem:$0x6B0];
	_ =	sdelay $0x4  }
0x2cb: {  	v47 =	vshll.u32 v3, $0x1  }
0x2cc: {  	v3 =	vand.u32 $0x7, v3;
	v4 =	vand.u32 $0xFFFFFFF0, v47  }
0x2cd: {  	v3 =	vor.u32 v3, v4  }
0x2ce: {  	v4 =	vperm.xlane v3, v0;
	_ =	sdelay $0x1  }
0x2cf: {  	v3 =	vperm.xlane v3, v2;
	v4 =	vadd.s32 v1, v4;
	_ =	sdelay $0x1  }
0x2d0: {  	v3 =	vadd.s32 v1, v3;
	_ =	sdelay $0x1  }
0x2d1: {  	s5 =	simm.s32 $0x17000  }
0x2d2: {  	[tilespmem:s5], [sflag:$0x3] =	stream.indirect_vreg.gather [hbm4b:s3+s4], $0x80, v4, vm0, $0xb8;
	[tilespmem:$0x18800] =	vst v63  }
0x2d3: {  	s18 =	simm.s32 $0x18000  }
0x2d4: {  	[tilespmem:s18], [sflag:$0x3] =	stream.indirect_vreg.gather [hbm4b:s3+s4], $0x80, v3, vm0, $0xb8;
	[tilespmem:$0x18800] =	vst v63  }
0x2d5: {  	_ =	swait.ge [sflag:s24], $0x4000  }
0x2d6: {  	[sflag:s24] =	ssyncset.done $0x0  }
0x2d7: {  	s30 =	simm.s32 $0x8800;
	s0 =	rddreg [dreg:$0x10];
	[sflag:s24] =	ssyncadd.s32 $0xFFFFC000  }
0x2d8: {  	[hbm4b:s0+s4] =	stream.linear.scatter [tilespmem:s30], [sflag:$0x5], $0x800, $0x38;
	[tilespmem:$0x18800] =	vst v63  }
0x2d9: {  	s17 =	simm.s32 $0x9800;
	s30 =	sadd.s32 $0x200, s0  }
0x2da: {  	[hbm4b:s30+s4] =	stream.linear.scatter [tilespmem:s17], [sflag:$0x5], $0x800, $0x38;
	[tilespmem:$0x18800] =	vst v63  }
0x2db: {  	s30 =	sadd.s32 $0x400, s0;
	s17 =	simm.s32 $0xA800  }
0x2dc: {  	[hbm4b:s30+s4] =	stream.linear.scatter [tilespmem:s17], [sflag:$0x5], $0x800, $0x38;
	[tilespmem:$0x18800] =	vst v63  }
0x2dd: {  	s30 =	sadd.s32 $0x600, s0;
	s17 =	simm.s32 $0xB800  }
0x2de: {  	[hbm4b:s30+s4] =	stream.linear.scatter [tilespmem:s17], [sflag:$0x5], $0x800, $0x38;
	[tilespmem:$0x18800] =	vst v63  }
0x2df: {  	s30 =	sadd.s32 $0x800, s0;
	s17 =	simm.s32 $0xC800  }
0x2e0: {  	[hbm4b:s30+s4] =	stream.linear.scatter [tilespmem:s17], [sflag:$0x5], $0x800, $0x38;
	[tilespmem:$0x18800] =	vst v63  }
0x2e1: {  	s30 =	sadd.s32 $0xA00, s0;
	s17 =	simm.s32 $0xD800  }
0x2e2: {  	[hbm4b:s30+s4] =	stream.linear.scatter [tilespmem:s17], [sflag:$0x5], $0x800, $0x38;
	[tilespmem:$0x18800] =	vst v63  }
0x2e3: {  	s30 =	sadd.s32 $0xC00, s0;
	s17 =	simm.s32 $0xE800  }
0x2e4: {  	[hbm4b:s30+s4] =	stream.linear.scatter [tilespmem:s17], [sflag:$0x5], $0x800, $0x38;
	[tilespmem:$0x18800] =	vst v63  }
0x2e5: {  	s0 =	sadd.s32 $0xE00, s0;
	s17 =	simm.s32 $0xF800  }
0x2e6: {  	[hbm4b:s0+s4] =	stream.linear.scatter [tilespmem:s17], [sflag:$0x5], $0x800, $0x38;
	[tilespmem:$0x18800] =	vst v63  }
0x2e7: {  	_ =	swait.ge [sflag:s24], $0x4000  }
0x2e8: {  	[sflag:s24] =	ssyncset.done $0x0  }
0x2e9: {  	s30 =	simm.s32 $0x9000;
	s0 =	rddreg [dreg:$0x11];
	[sflag:s24] =	ssyncadd.s32 $0xFFFFC000  }
0x2ea: {  	[hbm4b:s0+s4] =	stream.linear.scatter [tilespmem:s30], [sflag:$0x5], $0x800, $0x38;
	[tilespmem:$0x18800] =	vst v63  }
0x2eb: {  	s17 =	simm.s32 $0xA000;
	s30 =	sadd.s32 $0x200, s0  }
0x2ec: {  	[hbm4b:s30+s4] =	stream.linear.scatter [tilespmem:s17], [sflag:$0x5], $0x800, $0x38;
	[tilespmem:$0x18800] =	vst v63  }
0x2ed: {  	s17 =	sadd.s32 $0x400, s0  }
0x2ee: {  	[hbm4b:s17+s4] =	stream.linear.scatter [tilespmem:s7], [sflag:$0x5], $0x800, $0x38;
	[tilespmem:$0x18800] =	vst v63  }
0x2ef: {  	s7 =	sadd.s32 $0x600, s0;
	s17 =	simm.s32 $0xC000  }
0x2f0: {  	[hbm4b:s7+s4] =	stream.linear.scatter [tilespmem:s17], [sflag:$0x5], $0x800, $0x38;
	[tilespmem:$0x18800] =	vst v63  }
0x2f1: {  	s17 =	sadd.s32 $0x800, s0  }
0x2f2: {  	[hbm4b:s17+s4] =	stream.linear.scatter [tilespmem:s20], [sflag:$0x5], $0x800, $0x38;
	[tilespmem:$0x18800] =	vst v63  }
0x2f3: {  	s20 =	sadd.s32 $0xA00, s0  }
0x2f4: {  	[hbm4b:s20+s4] =	stream.linear.scatter [tilespmem:s10], [sflag:$0x5], $0x800, $0x38;
	[tilespmem:$0x18800] =	vst v63  }
0x2f5: {  	s7 =	sadd.s32 $0xC00, s0  }
0x2f6: {  	[hbm4b:s7+s4] =	stream.linear.scatter [tilespmem:s6], [sflag:$0x5], $0x800, $0x38;
	[tilespmem:$0x18800] =	vst v63  }
0x2f7: {  	s10 =	sadd.s32 $0xE00, s0  }
0x2f8: {  	[hbm4b:s10+s4] =	stream.linear.scatter [tilespmem:s8], [sflag:$0x5], $0x800, $0x38;
	[tilespmem:$0x18800] =	vst v63  }
0x2f9: {  	_ =	swait.ge [sflag:s25], $0x4000  }
0x2fa: {  	[sflag:s25] =	ssyncset.done $0x0  }
0x2fb: {  	[sflag:s25] =	ssyncadd.s32 $0xFFFFC000  }
0x2fc: {  	_ =	swait.ge [sflag:s25], $0x4000  }
0x2fd: {  	[sflag:s25] =	ssyncset.done $0x0  }
0x2fe: {  	[sflag:s25] =	ssyncadd.s32 $0xFFFFC000  }
0x2ff: {  	v3 =	vld [tilespmem:$0x300];
	_ =	sdelay $0x4  }
0x300: {  	v48 =	vshll.u32 v3, $0x1  }
0x301: {  	v3 =	vand.u32 $0x7, v3;
	v4 =	vand.u32 $0xFFFFFFF0, v48  }
0x302: {  	v3 =	vor.u32 v3, v4  }
0x303: {  	v4 =	vperm.xlane v3, v0;
	_ =	sdelay $0x1  }
0x304: {  	v3 =	vperm.xlane v3, v2;
	v4 =	vadd.s32 v1, v4;
	_ =	sdelay $0x1  }
0x305: {  	v3 =	vadd.s32 v1, v3;
	_ =	sdelay $0x2  }
0x306: {  	[tilespmem:s12], [sflag:$0x1] =	stream.indirect_vreg.gather [hbm4b:s1+s4], $0x80, v4, vm0, $0xb8;
	[tilespmem:$0x18800] =	vst v63  }
0x307: {  	s17 =	simm.s32 $0x1800  }
0x308: {  	[tilespmem:s17], [sflag:$0x1] =	stream.indirect_vreg.gather [hbm4b:s1+s4], $0x80, v3, vm0, $0xb8;
	[tilespmem:$0x18800] =	vst v63  }
0x309: {  	v3 =	vld [tilespmem:$0x310];
	_ =	sdelay $0x4  }
0x30a: {  	v49 =	vshll.u32 v3, $0x1  }
0x30b: {  	v3 =	vand.u32 $0x7, v3;
	v4 =	vand.u32 $0xFFFFFFF0, v49  }
0x30c: {  	v3 =	vor.u32 v3, v4  }
0x30d: {  	v4 =	vperm.xlane v3, v0;
	_ =	sdelay $0x1  }
0x30e: {  	v3 =	vperm.xlane v3, v2;
	v4 =	vadd.s32 v1, v4;
	_ =	sdelay $0x1  }
0x30f: {  	v3 =	vadd.s32 v1, v3;
	_ =	sdelay $0x2  }
0x310: {  	[tilespmem:s26], [sflag:$0x1] =	stream.indirect_vreg.gather [hbm4b:s1+s4], $0x80, v4, vm0, $0xb8;
	[tilespmem:$0x18800] =	vst v63  }
0x311: {  	_ = 	snop  }
0x312: {  	[tilespmem:s13], [sflag:$0x1] =	stream.indirect_vreg.gather [hbm4b:s1+s4], $0x80, v3, vm0, $0xb8;
	[tilespmem:$0x18800] =	vst v63  }
0x313: {  	v3 =	vld [tilespmem:$0x320];
	_ =	sdelay $0x4  }
0x314: {  	v50 =	vshll.u32 v3, $0x1  }
0x315: {  	v3 =	vand.u32 $0x7, v3;
	v4 =	vand.u32 $0xFFFFFFF0, v50  }
0x316: {  	v3 =	vor.u32 v3, v4  }
0x317: {  	v4 =	vperm.xlane v3, v0;
	_ =	sdelay $0x1  }
0x318: {  	v3 =	vperm.xlane v3, v2;
	v4 =	vadd.s32 v1, v4;
	_ =	sdelay $0x1  }
0x319: {  	v3 =	vadd.s32 v1, v3;
	_ =	sdelay $0x1  }
0x31a: {  	s30 =	simm.s32 $0x4800  }
0x31b: {  	[tilespmem:s30], [sflag:$0x1] =	stream.indirect_vreg.gather [hbm4b:s1+s4], $0x80, v4, vm0, $0xb8;
	[tilespmem:$0x18800] =	vst v63  }
0x31c: {  	_ = 	snop  }
0x31d: {  	[tilespmem:s22], [sflag:$0x1] =	stream.indirect_vreg.gather [hbm4b:s1+s4], $0x80, v3, vm0, $0xb8;
	[tilespmem:$0x18800] =	vst v63  }
0x31e: {  	v3 =	vld [tilespmem:$0x330];
	_ =	sdelay $0x4  }
0x31f: {  	v51 =	vshll.u32 v3, $0x1  }
0x320: {  	v3 =	vand.u32 $0x7, v3;
	v4 =	vand.u32 $0xFFFFFFF0, v51  }
0x321: {  	v3 =	vor.u32 v3, v4  }
0x322: {  	v4 =	vperm.xlane v3, v0;
	_ =	sdelay $0x1  }
0x323: {  	v3 =	vperm.xlane v3, v2;
	v4 =	vadd.s32 v1, v4;
	_ =	sdelay $0x1  }
0x324: {  	v3 =	vadd.s32 v1, v3;
	_ =	sdelay $0x1  }
0x325: {  	s6 =	simm.s32 $0x6800  }
0x326: {  	[tilespmem:s6], [sflag:$0x1] =	stream.indirect_vreg.gather [hbm4b:s1+s4], $0x80, v4, vm0, $0xb8;
	[tilespmem:$0x18800] =	vst v63  }
0x327: {  	s7 =	simm.s32 $0x7800  }
0x328: {  	[tilespmem:s7], [sflag:$0x1] =	stream.indirect_vreg.gather [hbm4b:s1+s4], $0x80, v3, vm0, $0xb8;
	[tilespmem:$0x18800] =	vst v63  }
0x329: {  	v3 =	vld [tilespmem:$0x700];
	_ =	sdelay $0x4  }
0x32a: {  	v52 =	vshll.u32 v3, $0x1  }
0x32b: {  	v3 =	vand.u32 $0x7, v3;
	v4 =	vand.u32 $0xFFFFFFF0, v52  }
0x32c: {  	v3 =	vor.u32 v3, v4  }
0x32d: {  	v4 =	vperm.xlane v3, v0;
	_ =	sdelay $0x1  }
0x32e: {  	v3 =	vperm.xlane v3, v2;
	v4 =	vadd.s32 v1, v4;
	_ =	sdelay $0x1  }
0x32f: {  	v3 =	vadd.s32 v1, v3;
	_ =	sdelay $0x1  }
0x330: {  	s8 =	simm.s32 $0x1000  }
0x331: {  	[tilespmem:s8], [sflag:$0x1] =	stream.indirect_vreg.gather [hbm4b:s3+s4], $0x80, v4, vm0, $0xb8;
	[tilespmem:$0x18800] =	vst v63  }
0x332: {  	s10 =	simm.s32 $0x2000  }
0x333: {  	[tilespmem:s10], [sflag:$0x1] =	stream.indirect_vreg.gather [hbm4b:s3+s4], $0x80, v3, vm0, $0xb8;
	[tilespmem:$0x18800] =	vst v63  }
0x334: {  	v3 =	vld [tilespmem:$0x710];
	_ =	sdelay $0x4  }
0x335: {  	v53 =	vshll.u32 v3, $0x1  }
0x336: {  	v3 =	vand.u32 $0x7, v3;
	v4 =	vand.u32 $0xFFFFFFF0, v53  }
0x337: {  	v3 =	vor.u32 v3, v4  }
0x338: {  	v4 =	vperm.xlane v3, v0;
	_ =	sdelay $0x1  }
0x339: {  	v3 =	vperm.xlane v3, v2;
	v4 =	vadd.s32 v1, v4;
	_ =	sdelay $0x1  }
0x33a: {  	v3 =	vadd.s32 v1, v3;
	_ =	sdelay $0x1  }
0x33b: {  	s12 =	simm.s32 $0x3000  }
0x33c: {  	[tilespmem:s12], [sflag:$0x1] =	stream.indirect_vreg.gather [hbm4b:s3+s4], $0x80, v4, vm0, $0xb8;
	[tilespmem:$0x18800] =	vst v63  }
0x33d: {  	s13 =	simm.s32 $0x4000  }
0x33e: {  	[tilespmem:s13], [sflag:$0x1] =	stream.indirect_vreg.gather [hbm4b:s3+s4], $0x80, v3, vm0, $0xb8;
	[tilespmem:$0x18800] =	vst v63  }
0x33f: {  	v3 =	vld [tilespmem:$0x720];
	_ =	sdelay $0x4  }
0x340: {  	v54 =	vshll.u32 v3, $0x1  }
0x341: {  	v3 =	vand.u32 $0x7, v3;
	v4 =	vand.u32 $0xFFFFFFF0, v54  }
0x342: {  	v3 =	vor.u32 v3, v4  }
0x343: {  	v4 =	vperm.xlane v3, v0;
	_ =	sdelay $0x1  }
0x344: {  	v3 =	vperm.xlane v3, v2;
	v4 =	vadd.s32 v1, v4;
	_ =	sdelay $0x1  }
0x345: {  	v3 =	vadd.s32 v1, v3;
	_ =	sdelay $0x1  }
0x346: {  	s17 =	simm.s32 $0x5000  }
0x347: {  	[tilespmem:s17], [sflag:$0x1] =	stream.indirect_vreg.gather [hbm4b:s3+s4], $0x80, v4, vm0, $0xb8;
	[tilespmem:$0x18800] =	vst v63  }
0x348: {  	s22 =	simm.s32 $0x6000  }
0x349: {  	[tilespmem:s22], [sflag:$0x1] =	stream.indirect_vreg.gather [hbm4b:s3+s4], $0x80, v3, vm0, $0xb8;
	[tilespmem:$0x18800] =	vst v63  }
0x34a: {  	v3 =	vld [tilespmem:$0x730];
	_ =	sdelay $0x4  }
0x34b: {  	v55 =	vshll.u32 v3, $0x1  }
0x34c: {  	v3 =	vand.u32 $0x7, v3;
	v4 =	vand.u32 $0xFFFFFFF0, v55  }
0x34d: {  	v3 =	vor.u32 v3, v4  }
0x34e: {  	v4 =	vperm.xlane v3, v0;
	_ =	sdelay $0x1  }
0x34f: {  	v3 =	vperm.xlane v3, v2;
	v4 =	vadd.s32 v1, v4;
	_ =	sdelay $0x1  }
0x350: {  	v3 =	vadd.s32 v1, v3;
	_ =	sdelay $0x1  }
0x351: {  	s26 =	simm.s32 $0x7000  }
0x352: {  	[tilespmem:s26], [sflag:$0x1] =	stream.indirect_vreg.gather [hbm4b:s3+s4], $0x80, v4, vm0, $0xb8;
	[tilespmem:$0x18800] =	vst v63  }
0x353: {  	_ = 	snop  }
0x354: {  	[tilespmem:s15], [sflag:$0x1] =	stream.indirect_vreg.gather [hbm4b:s3+s4], $0x80, v3, vm0, $0xb8;
	[tilespmem:$0x18800] =	vst v63  }
0x355: {  	_ =	swait.ge [sflag:s2], $0x4000  }
0x356: {  	[sflag:s2] =	ssyncset.done $0x0  }
0x357: {  	s30 =	simm.s32 $0x10800;
	s0 =	rddreg [dreg:$0x12];
	[sflag:s2] =	ssyncadd.s32 $0xFFFFC000  }
0x358: {  	[hbm4b:s0+s4] =	stream.linear.scatter [tilespmem:s30], [sflag:$0x6], $0x800, $0x38;
	[tilespmem:$0x18800] =	vst v63  }
0x359: {  	s10 =	simm.s32 $0x11800;
	s8 =	sadd.s32 $0x200, s0  }
0x35a: {  	[hbm4b:s8+s4] =	stream.linear.scatter [tilespmem:s10], [sflag:$0x6], $0x800, $0x38;
	[tilespmem:$0x18800] =	vst v63  }
0x35b: {  	s17 =	simm.s32 $0x12800;
	s12 =	sadd.s32 $0x400, s0  }
0x35c: {  	[hbm4b:s12+s4] =	stream.linear.scatter [tilespmem:s17], [sflag:$0x6], $0x800, $0x38;
	[tilespmem:$0x18800] =	vst v63  }
0x35d: {  	s26 =	simm.s32 $0x13800;
	s22 =	sadd.s32 $0x600, s0  }
0x35e: {  	[hbm4b:s22+s4] =	stream.linear.scatter [tilespmem:s26], [sflag:$0x6], $0x800, $0x38;
	[tilespmem:$0x18800] =	vst v63  }
0x35f: {  	s7 =	sadd.s32 $0x800, s0;
	s8 =	simm.s32 $0x14800  }
0x360: {  	[hbm4b:s7+s4] =	stream.linear.scatter [tilespmem:s8], [sflag:$0x6], $0x800, $0x38;
	[tilespmem:$0x18800] =	vst v63  }
0x361: {  	s10 =	sadd.s32 $0xA00, s0;
	s12 =	simm.s32 $0x15800  }
0x362: {  	[hbm4b:s10+s4] =	stream.linear.scatter [tilespmem:s12], [sflag:$0x6], $0x800, $0x38;
	[tilespmem:$0x18800] =	vst v63  }
0x363: {  	s31 =	simm.s32 $0x16800;
	s17 =	sadd.s32 $0xC00, s0  }
0x364: {  	[hbm4b:s17+s4] =	stream.linear.scatter [tilespmem:s31], [sflag:$0x6], $0x800, $0x38;
	[tilespmem:$0x18800] =	vst v63  }
0x365: {  	s22 =	sadd.s32 $0xE00, s0;
	s26 =	simm.s32 $0x17800  }
0x366: {  	[hbm4b:s22+s4] =	stream.linear.scatter [tilespmem:s26], [sflag:$0x6], $0x800, $0x38;
	[tilespmem:$0x18800] =	vst v63  }
0x367: {  	_ =	swait.ge [sflag:s2], $0x4000  }
0x368: {  	[sflag:s2] =	ssyncset.done $0x0  }
0x369: {  	s31 =	rddreg [dreg:$0x13];
	[sflag:s2] =	ssyncadd.s32 $0xFFFFC000  }
0x36a: {  	[hbm4b:s31+s4] =	stream.linear.scatter [tilespmem:s11], [sflag:$0x6], $0x800, $0x38;
	[tilespmem:$0x18800] =	vst v63  }
0x36b: {  	s16 =	simm.s32 $0x12000;
	s7 =	sadd.s32 $0x200, s31  }
0x36c: {  	[hbm4b:s7+s4] =	stream.linear.scatter [tilespmem:s16], [sflag:$0x6], $0x800, $0x38;
	[tilespmem:$0x18800] =	vst v63  }
0x36d: {  	s8 =	sadd.s32 $0x400, s31  }
0x36e: {  	[hbm4b:s8+s4] =	stream.linear.scatter [tilespmem:s9], [sflag:$0x6], $0x800, $0x38;
	[tilespmem:$0x18800] =	vst v63  }
0x36f: {  	s14 =	simm.s32 $0x14000;
	s10 =	sadd.s32 $0x600, s31  }
0x370: {  	[hbm4b:s10+s4] =	stream.linear.scatter [tilespmem:s14], [sflag:$0x6], $0x800, $0x38;
	[tilespmem:$0x18800] =	vst v63  }
0x371: {  	s11 =	sadd.s32 $0x800, s31  }
0x372: {  	[hbm4b:s11+s4] =	stream.linear.scatter [tilespmem:s21], [sflag:$0x6], $0x800, $0x38;
	[tilespmem:$0x18800] =	vst v63  }
0x373: {  	s12 =	sadd.s32 $0xA00, s31  }
0x374: {  	[hbm4b:s12+s4] =	stream.linear.scatter [tilespmem:s19], [sflag:$0x6], $0x800, $0x38;
	[tilespmem:$0x18800] =	vst v63  }
0x375: {  	s14 =	sadd.s32 $0xC00, s31  }
0x376: {  	[hbm4b:s14+s4] =	stream.linear.scatter [tilespmem:s5], [sflag:$0x6], $0x800, $0x38;
	[tilespmem:$0x18800] =	vst v63  }
0x377: {  	s16 =	sadd.s32 $0xE00, s31  }
0x378: {  	[hbm4b:s16+s4] =	stream.linear.scatter [tilespmem:s18], [sflag:$0x6], $0x800, $0x38;
	[tilespmem:$0x18800] =	vst v63  }
0x379: {  	s0 =	rddreg [dreg:$0x8];
	_ =	swait.ge [sflag:s28], $0x4000  }
0x37a: {  	[sflag:s28] =	ssyncset.done $0x0  }
0x37b: {  	[sflag:s28] =	ssyncadd.s32 $0xFFFFC000  }
0x37c: {  	_ =	swait.ge [sflag:s28], $0x4000  }
0x37d: {  	[sflag:s28] =	ssyncset.done $0x0  }
0x37e: {  	[sflag:s28] =	ssyncadd.s32 $0xFFFFC000  }
0x37f: {  	v3 =	vld [tilespmem:$0x380];
	_ =	sdelay $0x4  }
0x380: {  	v56 =	vshll.u32 v3, $0x1  }
0x381: {  	v3 =	vand.u32 $0x7, v3;
	v4 =	vand.u32 $0xFFFFFFF0, v56  }
0x382: {  	v3 =	vor.u32 v3, v4  }
0x383: {  	v4 =	vperm.xlane v3, v0;
	_ =	sdelay $0x1  }
0x384: {  	v3 =	vperm.xlane v3, v2;
	v4 =	vadd.s32 v1, v4;
	_ =	sdelay $0x1  }
0x385: {  	v3 =	vadd.s32 v1, v3;
	_ =	sdelay $0x1  }
0x386: {  	s5 =	simm.s32 $0x8800  }
0x387: {  	[tilespmem:s5], [sflag:$0x2] =	stream.indirect_vreg.gather [hbm4b:s1+s4], $0x80, v4, vm0, $0xb8;
	[tilespmem:$0x18800] =	vst v63  }
0x388: {  	s2 =	simm.s32 $0x9800  }
0x389: {  	[tilespmem:s2], [sflag:$0x2] =	stream.indirect_vreg.gather [hbm4b:s1+s4], $0x80, v3, vm0, $0xb8;
	[tilespmem:$0x18800] =	vst v63  }
0x38a: {  	v3 =	vld [tilespmem:$0x390];
	_ =	sdelay $0x4  }
0x38b: {  	v57 =	vshll.u32 v3, $0x1  }
0x38c: {  	v3 =	vand.u32 $0x7, v3;
	v4 =	vand.u32 $0xFFFFFFF0, v57  }
0x38d: {  	v3 =	vor.u32 v3, v4  }
0x38e: {  	v4 =	vperm.xlane v3, v0;
	_ =	sdelay $0x1  }
0x38f: {  	v3 =	vperm.xlane v3, v2;
	v4 =	vadd.s32 v1, v4;
	_ =	sdelay $0x1  }
0x390: {  	v3 =	vadd.s32 v1, v3;
	_ =	sdelay $0x1  }
0x391: {  	s31 =	simm.s32 $0xA800  }
0x392: {  	[tilespmem:s31], [sflag:$0x2] =	stream.indirect_vreg.gather [hbm4b:s1+s4], $0x80, v4, vm0, $0xb8;
	[tilespmem:$0x18800] =	vst v63  }
0x393: {  	s22 =	simm.s32 $0xB800  }
0x394: {  	[tilespmem:s22], [sflag:$0x2] =	stream.indirect_vreg.gather [hbm4b:s1+s4], $0x80, v3, vm0, $0xb8;
	[tilespmem:$0x18800] =	vst v63  }
0x395: {  	v3 =	vld [tilespmem:$0x3A0];
	_ =	sdelay $0x4  }
0x396: {  	v58 =	vshll.u32 v3, $0x1  }
0x397: {  	v3 =	vand.u32 $0x7, v3;
	v4 =	vand.u32 $0xFFFFFFF0, v58  }
0x398: {  	v3 =	vor.u32 v3, v4  }
0x399: {  	v4 =	vperm.xlane v3, v0;
	_ =	sdelay $0x1  }
0x39a: {  	v3 =	vperm.xlane v3, v2;
	v4 =	vadd.s32 v1, v4;
	_ =	sdelay $0x1  }
0x39b: {  	v3 =	vadd.s32 v1, v3;
	_ =	sdelay $0x1  }
0x39c: {  	s26 =	simm.s32 $0xC800  }
0x39d: {  	[tilespmem:s26], [sflag:$0x2] =	stream.indirect_vreg.gather [hbm4b:s1+s4], $0x80, v4, vm0, $0xb8;
	[tilespmem:$0x18800] =	vst v63  }
0x39e: {  	s7 =	simm.s32 $0xD800  }
0x39f: {  	[tilespmem:s7], [sflag:$0x2] =	stream.indirect_vreg.gather [hbm4b:s1+s4], $0x80, v3, vm0, $0xb8;
	[tilespmem:$0x18800] =	vst v63  }
0x3a0: {  	v3 =	vld [tilespmem:$0x3B0];
	_ =	sdelay $0x4  }
0x3a1: {  	v59 =	vshll.u32 v3, $0x1  }
0x3a2: {  	v3 =	vand.u32 $0x7, v3;
	v4 =	vand.u32 $0xFFFFFFF0, v59  }
0x3a3: {  	v3 =	vor.u32 v3, v4  }
0x3a4: {  	v4 =	vperm.xlane v3, v0;
	_ =	sdelay $0x1  }
0x3a5: {  	v3 =	vperm.xlane v3, v2;
	v4 =	vadd.s32 v1, v4;
	_ =	sdelay $0x1  }
0x3a6: {  	v3 =	vadd.s32 v1, v3;
	_ =	sdelay $0x1  }
0x3a7: {  	s16 =	simm.s32 $0xE800  }
0x3a8: {  	[tilespmem:s16], [sflag:$0x2] =	stream.indirect_vreg.gather [hbm4b:s1+s4], $0x80, v4, vm0, $0xb8;
	[tilespmem:$0x18800] =	vst v63  }
0x3a9: {  	s14 =	simm.s32 $0xF800  }
0x3aa: {  	[tilespmem:s14], [sflag:$0x2] =	stream.indirect_vreg.gather [hbm4b:s1+s4], $0x80, v3, vm0, $0xb8;
	[tilespmem:$0x18800] =	vst v63  }
0x3ab: {  	v3 =	vld [tilespmem:$0x780];
	_ =	sdelay $0x4  }
0x3ac: {  	v60 =	vshll.u32 v3, $0x1  }
0x3ad: {  	v3 =	vand.u32 $0x7, v3;
	v4 =	vand.u32 $0xFFFFFFF0, v60  }
0x3ae: {  	v3 =	vor.u32 v3, v4  }
0x3af: {  	v4 =	vperm.xlane v3, v0;
	_ =	sdelay $0x1  }
0x3b0: {  	v3 =	vperm.xlane v3, v2;
	v4 =	vadd.s32 v1, v4;
	_ =	sdelay $0x1  }
0x3b1: {  	v3 =	vadd.s32 v1, v3;
	_ =	sdelay $0x1  }
0x3b2: {  	s9 =	simm.s32 $0x9000  }
0x3b3: {  	[tilespmem:s9], [sflag:$0x2] =	stream.indirect_vreg.gather [hbm4b:s3+s4], $0x80, v4, vm0, $0xb8;
	[tilespmem:$0x18800] =	vst v63  }
0x3b4: {  	s8 =	simm.s32 $0xA000  }
0x3b5: {  	[tilespmem:s8], [sflag:$0x2] =	stream.indirect_vreg.gather [hbm4b:s3+s4], $0x80, v3, vm0, $0xb8;
	[tilespmem:$0x18800] =	vst v63  }
0x3b6: {  	v3 =	vld [tilespmem:$0x790];
	_ =	sdelay $0x4  }
0x3b7: {  	v61 =	vshll.u32 v3, $0x1  }
0x3b8: {  	v3 =	vand.u32 $0x7, v3;
	v4 =	vand.u32 $0xFFFFFFF0, v61  }
0x3b9: {  	v3 =	vor.u32 v3, v4  }
0x3ba: {  	v4 =	vperm.xlane v3, v0;
	_ =	sdelay $0x1  }
0x3bb: {  	v3 =	vperm.xlane v3, v2;
	v4 =	vadd.s32 v1, v4;
	_ =	sdelay $0x1  }
0x3bc: {  	v3 =	vadd.s32 v1, v3;
	_ =	sdelay $0x1  }
0x3bd: {  	s18 =	simm.s32 $0xB000  }
0x3be: {  	[tilespmem:s18], [sflag:$0x2] =	stream.indirect_vreg.gather [hbm4b:s3+s4], $0x80, v4, vm0, $0xb8;
	[tilespmem:$0x18800] =	vst v63  }
0x3bf: {  	s10 =	simm.s32 $0xC000  }
0x3c0: {  	[tilespmem:s10], [sflag:$0x2] =	stream.indirect_vreg.gather [hbm4b:s3+s4], $0x80, v3, vm0, $0xb8;
	[tilespmem:$0x18800] =	vst v63  }
0x3c1: {  	v3 =	vld [tilespmem:$0x7A0];
	_ =	sdelay $0x4  }
0x3c2: {  	v62 =	vshll.u32 v3, $0x1  }
0x3c3: {  	v3 =	vand.u32 $0x7, v3;
	v4 =	vand.u32 $0xFFFFFFF0, v62  }
0x3c4: {  	v3 =	vor.u32 v3, v4  }
0x3c5: {  	v4 =	vperm.xlane v3, v0;
	_ =	sdelay $0x1  }
0x3c6: {  	v3 =	vperm.xlane v3, v2;
	v4 =	vadd.s32 v1, v4;
	_ =	sdelay $0x1  }
0x3c7: {  	v3 =	vadd.s32 v1, v3;
	_ =	sdelay $0x1  }
0x3c8: {  	s11 =	simm.s32 $0xD000  }
0x3c9: {  	[tilespmem:s11], [sflag:$0x2] =	stream.indirect_vreg.gather [hbm4b:s3+s4], $0x80, v4, vm0, $0xb8;
	[tilespmem:$0x18800] =	vst v63  }
0x3ca: {  	s19 =	simm.s32 $0xE000  }
0x3cb: {  	[tilespmem:s19], [sflag:$0x2] =	stream.indirect_vreg.gather [hbm4b:s3+s4], $0x80, v3, vm0, $0xb8;
	[tilespmem:$0x18800] =	vst v63  }
0x3cc: {  	v3 =	vld [tilespmem:$0x7B0];
	_ =	sdelay $0x4  }
0x3cd: {  	v63 =	vshll.u32 v3, $0x1  }
0x3ce: {  	v3 =	vand.u32 $0x7, v3;
	v4 =	vand.u32 $0xFFFFFFF0, v63  }
0x3cf: {  	v3 =	vor.u32 v3, v4  }
0x3d0: {  	v4 =	vperm.xlane v3, v0;
	_ =	sdelay $0x1  }
0x3d1: {  	v3 =	vperm.xlane v3, v2;
	v4 =	vadd.s32 v1, v4;
	_ =	sdelay $0x1  }
0x3d2: {  	v3 =	vadd.s32 v1, v3;
	_ =	sdelay $0x1  }
0x3d3: {  	s12 =	simm.s32 $0xF000  }
0x3d4: {  	[tilespmem:s12], [sflag:$0x2] =	stream.indirect_vreg.gather [hbm4b:s3+s4], $0x80, v4, vm0, $0xb8;
	[tilespmem:$0x18800] =	vst v63  }
0x3d5: {  	s21 =	simm.s32 $0x10000  }
0x3d6: {  	[tilespmem:s21], [sflag:$0x2] =	stream.indirect_vreg.gather [hbm4b:s3+s4], $0x80, v3, vm0, $0xb8;
	[tilespmem:$0x18800] =	vst v63  }
0x3d7: {  	_ =	swait.ge [sflag:s23], $0x4000  }
0x3d8: {  	[sflag:s23] =	ssyncset.done $0x0  }
0x3d9: {  	s20 =	simm.s32 $0x800;
	s17 =	rddreg [dreg:$0x14];
	[sflag:s23] =	ssyncadd.s32 $0xFFFFC000  }
0x3da: {  	[hbm4b:s17+s4] =	stream.linear.scatter [tilespmem:s20], [sflag:$0x4], $0x800, $0x38;
	[tilespmem:$0x18800] =	vst v63  }
0x3db: {  	s30 =	sadd.s32 $0x200, s17;
	s20 =	simm.s32 $0x1800  }
0x3dc: {  	[hbm4b:s30+s4] =	stream.linear.scatter [tilespmem:s20], [sflag:$0x4], $0x800, $0x38;
	[tilespmem:$0x18800] =	vst v63  }
0x3dd: {  	s30 =	sadd.s32 $0x400, s17;
	s20 =	simm.s32 $0x2800  }
0x3de: {  	[hbm4b:s30+s4] =	stream.linear.scatter [tilespmem:s20], [sflag:$0x4], $0x800, $0x38;
	[tilespmem:$0x18800] =	vst v63  }
0x3df: {  	s30 =	sadd.s32 $0x600, s17;
	s20 =	simm.s32 $0x3800  }
0x3e0: {  	[hbm4b:s30+s4] =	stream.linear.scatter [tilespmem:s20], [sflag:$0x4], $0x800, $0x38;
	[tilespmem:$0x18800] =	vst v63  }
0x3e1: {  	s30 =	sadd.s32 $0x800, s17;
	s20 =	simm.s32 $0x4800  }
0x3e2: {  	[hbm4b:s30+s4] =	stream.linear.scatter [tilespmem:s20], [sflag:$0x4], $0x800, $0x38;
	[tilespmem:$0x18800] =	vst v63  }
0x3e3: {  	s30 =	sadd.s32 $0xA00, s17;
	s20 =	simm.s32 $0x5800  }
0x3e4: {  	[hbm4b:s30+s4] =	stream.linear.scatter [tilespmem:s20], [sflag:$0x4], $0x800, $0x38;
	[tilespmem:$0x18800] =	vst v63  }
0x3e5: {  	s30 =	sadd.s32 $0xC00, s17;
	s20 =	simm.s32 $0x6800  }
0x3e6: {  	[hbm4b:s30+s4] =	stream.linear.scatter [tilespmem:s20], [sflag:$0x4], $0x800, $0x38;
	[tilespmem:$0x18800] =	vst v63  }
0x3e7: {  	s17 =	sadd.s32 $0xE00, s17;
	s20 =	simm.s32 $0x7800  }
0x3e8: {  	[hbm4b:s17+s4] =	stream.linear.scatter [tilespmem:s20], [sflag:$0x4], $0x800, $0x38;
	[tilespmem:$0x18800] =	vst v63  }
0x3e9: {  	_ =	swait.ge [sflag:s23], $0x4000  }
0x3ea: {  	[sflag:s23] =	ssyncset.done $0x0  }
0x3eb: {  	s30 =	simm.s32 $0x1000;
	s17 =	rddreg [dreg:$0x15];
	[sflag:s23] =	ssyncadd.s32 $0xFFFFC000  }
0x3ec: {  	[hbm4b:s17+s4] =	stream.linear.scatter [tilespmem:s30], [sflag:$0x4], $0x800, $0x38;
	[tilespmem:$0x18800] =	vst v63  }
0x3ed: {  	s20 =	simm.s32 $0x2000;
	s30 =	sadd.s32 $0x200, s17  }
0x3ee: {  	[hbm4b:s30+s4] =	stream.linear.scatter [tilespmem:s20], [sflag:$0x4], $0x800, $0x38;
	[tilespmem:$0x18800] =	vst v63  }
0x3ef: {  	s30 =	sadd.s32 $0x400, s17;
	s20 =	simm.s32 $0x3000  }
0x3f0: {  	[hbm4b:s30+s4] =	stream.linear.scatter [tilespmem:s20], [sflag:$0x4], $0x800, $0x38;
	[tilespmem:$0x18800] =	vst v63  }
0x3f1: {  	s30 =	sadd.s32 $0x600, s17;
	s20 =	simm.s32 $0x4000  }
0x3f2: {  	[hbm4b:s30+s4] =	stream.linear.scatter [tilespmem:s20], [sflag:$0x4], $0x800, $0x38;
	[tilespmem:$0x18800] =	vst v63  }
0x3f3: {  	s13 =	simm.s32 $0x5000;
	s20 =	sadd.s32 $0x800, s17  }
0x3f4: {  	[hbm4b:s20+s4] =	stream.linear.scatter [tilespmem:s13], [sflag:$0x4], $0x800, $0x38;
	[tilespmem:$0x18800] =	vst v63  }
0x3f5: {  	s13 =	sadd.s32 $0xA00, s17;
	s20 =	simm.s32 $0x6000  }
0x3f6: {  	[hbm4b:s13+s4] =	stream.linear.scatter [tilespmem:s20], [sflag:$0x4], $0x800, $0x38;
	[tilespmem:$0x18800] =	vst v63  }
0x3f7: {  	s6 =	simm.s32 $0x7000;
	s20 =	sadd.s32 $0xC00, s17  }
0x3f8: {  	[hbm4b:s20+s4] =	stream.linear.scatter [tilespmem:s6], [sflag:$0x4], $0x800, $0x38;
	[tilespmem:$0x18800] =	vst v63  }
0x3f9: {  	s15 =	simm.s32 $0x8000;
	s13 =	sadd.s32 $0xE00, s17  }
0x3fa: {  	[hbm4b:s13+s4] =	stream.linear.scatter [tilespmem:s15], [sflag:$0x4], $0x800, $0x38;
	[tilespmem:$0x18800] =	vst v63  }
0x3fb: {  	_ =	swait.ge [sflag:s24], $0x4000  }
0x3fc: {  	[sflag:s24] =	ssyncset.done $0x0  }
0x3fd: {  	s15 =	rddreg [dreg:$0x16];
	[sflag:s24] =	ssyncadd.s32 $0xFFFFC000  }
0x3fe: {  	[hbm4b:s15+s4] =	stream.linear.scatter [tilespmem:s5], [sflag:$0x5], $0x800, $0x38;
	[tilespmem:$0x18800] =	vst v63  }
0x3ff: {  	s17 =	sadd.s32 $0x200, s15  }
0x400: {  	[hbm4b:s17+s4] =	stream.linear.scatter [tilespmem:s2], [sflag:$0x5], $0x800, $0x38;
	[tilespmem:$0x18800] =	vst v63  }
0x401: {  	s20 =	sadd.s32 $0x400, s15  }
0x402: {  	[hbm4b:s20+s4] =	stream.linear.scatter [tilespmem:s31], [sflag:$0x5], $0x800, $0x38;
	[tilespmem:$0x18800] =	vst v63  }
0x403: {  	s2 =	sadd.s32 $0x600, s15  }
0x404: {  	[hbm4b:s2+s4] =	stream.linear.scatter [tilespmem:s22], [sflag:$0x5], $0x800, $0x38;
	[tilespmem:$0x18800] =	vst v63  }
0x405: {  	s5 =	sadd.s32 $0x800, s15  }
0x406: {  	[hbm4b:s5+s4] =	stream.linear.scatter [tilespmem:s26], [sflag:$0x5], $0x800, $0x38;
	[tilespmem:$0x18800] =	vst v63  }
0x407: {  	s6 =	sadd.s32 $0xA00, s15  }
0x408: {  	[hbm4b:s6+s4] =	stream.linear.scatter [tilespmem:s7], [sflag:$0x5], $0x800, $0x38;
	[tilespmem:$0x18800] =	vst v63  }
0x409: {  	s7 =	sadd.s32 $0xC00, s15  }
0x40a: {  	[hbm4b:s7+s4] =	stream.linear.scatter [tilespmem:s16], [sflag:$0x5], $0x800, $0x38;
	[tilespmem:$0x18800] =	vst v63  }
0x40b: {  	s13 =	sadd.s32 $0xE00, s15  }
0x40c: {  	[hbm4b:s13+s4] =	stream.linear.scatter [tilespmem:s14], [sflag:$0x5], $0x800, $0x38;
	[tilespmem:$0x18800] =	vst v63  }
0x40d: {  	_ =	swait.ge [sflag:s24], $0x4000  }
0x40e: {  	[sflag:s24] =	ssyncset.done $0x0  }
0x40f: {  	s15 =	rddreg [dreg:$0x17];
	[sflag:s24] =	ssyncadd.s32 $0xFFFFC000  }
0x410: {  	[hbm4b:s15+s4] =	stream.linear.scatter [tilespmem:s9], [sflag:$0x5], $0x800, $0x38;
	[tilespmem:$0x18800] =	vst v63  }
0x411: {  	s16 =	sadd.s32 $0x200, s15  }
0x412: {  	[hbm4b:s16+s4] =	stream.linear.scatter [tilespmem:s8], [sflag:$0x5], $0x800, $0x38;
	[tilespmem:$0x18800] =	vst v63  }
0x413: {  	s17 =	sadd.s32 $0x400, s15  }
0x414: {  	[hbm4b:s17+s4] =	stream.linear.scatter [tilespmem:s18], [sflag:$0x5], $0x800, $0x38;
	[tilespmem:$0x18800] =	vst v63  }
0x415: {  	s18 =	sadd.s32 $0x600, s15  }
0x416: {  	[hbm4b:s18+s4] =	stream.linear.scatter [tilespmem:s10], [sflag:$0x5], $0x800, $0x38;
	[tilespmem:$0x18800] =	vst v63  }
0x417: {  	s20 =	sadd.s32 $0x800, s15  }
0x418: {  	[hbm4b:s20+s4] =	stream.linear.scatter [tilespmem:s11], [sflag:$0x5], $0x800, $0x38;
	[tilespmem:$0x18800] =	vst v63  }
0x419: {  	s22 =	sadd.s32 $0xA00, s15  }
0x41a: {  	[hbm4b:s22+s4] =	stream.linear.scatter [tilespmem:s19], [sflag:$0x5], $0x800, $0x38;
	[tilespmem:$0x18800] =	vst v63  }
0x41b: {  	s26 =	sadd.s32 $0xC00, s15  }
0x41c: {  	[hbm4b:s26+s4] =	stream.linear.scatter [tilespmem:s12], [sflag:$0x5], $0x800, $0x38;
	[tilespmem:$0x18800] =	vst v63  }
0x41d: {  	s31 =	sadd.s32 $0xE00, s15  }
0x41e: {  	[hbm4b:s31+s4] =	stream.linear.scatter [tilespmem:s21], [sflag:$0x5], $0x800, $0x38;
	[tilespmem:$0x18800] =	vst v63  }
0x41f: {  	_ =	swait.ge [sflag:s29], $0x4000  }
0x420: {  	[sflag:s29] =	ssyncset.done $0x0  }
0x421: {  	[sflag:s29] =	ssyncadd.s32 $0xFFFFC000  }
0x422: {  	_ =	swait.ge [sflag:s29], $0x4000  }
0x423: {  	[sflag:s29] =	ssyncset.done $0x0  }
0x424: {  	[sflag:s29] =	ssyncadd.s32 $0xFFFFC000  }
0x425: {  	_ =	swait.ge [sflag:s25], $0x4000  }
0x426: {  	[sflag:s25] =	ssyncset.done $0x0  }
0x427: {  	[sflag:s25] =	ssyncadd.s32 $0xFFFFC000  }
0x428: {  	_ =	swait.ge [sflag:s25], $0x4000  }
0x429: {  	[sflag:s25] =	ssyncset.done $0x0  }
0x42a: {  	[sflag:s25] =	ssyncadd.s32 $0xFFFFC000  }
0x42b: {  	p0 =	sne.s32 s0, $0x1;
	_ =	swait.ge [sflag:s28], $0x4000  }
.Ltmp0:
0x42c: {  	[sflag:s28] =	ssyncset.done $0x0;
	(pc) =	sbr.rel @p0 .LBB2_1-.Ltmp0, $4  }
0x42d: {  	[sflag:s28] =	ssyncadd.s32 $0xFFFFC000  }
0x42e: {  	_ =	swait.ge [sflag:s28], $0x4000  }
0x42f: {  	[sflag:s28] =	ssyncset.done $0x0  }
0x430: {  	s0 =	sadd.s32 $0xFFFFFFFF, s0;
	[sflag:s28] =	ssyncadd.s32 $0xFFFFC000  }
0x431: {  	_ =	sfence.sel $0x180000  }
0x432: {  	[bflag:$0x0] =	sbarrier.arrive $0xFFFF  }
0x433: {  	_ =	strace $0x90000047  }
0x434: {  	s0 =	stileid.u32;
	[bflag:$0x2] =	sbarrier.arrive $0xFFFF  }
0x435: {  	p0 =	sne.s32 s0, $0x0;
	s0 =	rddreg [dreg:$0x4]  }
0x436: {  	s0 =	sadd.s32 @!p0 $0x100000, s0  }
0x437: {  	[sflag:s0] =	ssyncadd.tile.s32 @!p0 $0x1;
	_ =	shalt  }
.Lfunc_end2:
_tile_overlayer_lowered:
.L_overlay_start_2:
0x438: {  	(tag) =	ssettag $0x2  }
0x439: {  	s0 =	rddreg [dreg:$0x0];
	s2 =	stileid.u32  }
0x43a: {  	s1 =	rddreg [dreg:$0x1];
	p0 =	sne.s32 s2, $0x0  }
0x43b: {  	s3 =	rddreg [dreg:$0x2];
	[bflag:$0x3] =	sbarrier.arrive $0xFFFF;
	s2 =	simm.s32 @!p0 $0x1C08  }
0x43c: {  	[timem:s3], [sflag:s2] =	dma.local @!p0 [hbm:s0], s1  }
0x43d: {  	s0 =	simm.s32 @!p0 $0x8  }
0x43e: {  	_ =	swait.ge @!p0 [sflag:s0], s1  }
0x43f: {  	s1 =	ssub.s32 @!p0 $0x0, s1;
	[sflag:s0] =	ssyncset.done @!p0 $0x0  }
0x440: {  	[sflag:s0] =	ssyncadd.s32 @!p0 s1  }
0x441: {  	[bflag:$0x3] =	sbarrier.arrive $0xFFFF  }
0x442: {  	_ =	shalt  }

</sc_bundles>
